<compile_context>
chip_gen: v7x
topology: tpu7x:2x2x1
jax: 0.10.2.dev20260603
libtpu: 0.0.44.dev20260713+nightly
codegen_flags: <defaults>
</compile_context>

<pallas_src>
import jax
import jax.numpy as jnp
from jax import lax
from jax.experimental import pallas as pl
from jax.experimental.pallas import tpu as pltpu
from jax.experimental.pallas import tpu_sc as plsc

N = 10000
E = 320000
D = 128
H = 128
G = 64

NC = 2
NS = 16
NW = NC * NS

CH = 128
K = 79
EPW = K * CH
EPAD = NW * EPW
NPAD = 79 * 128
CP = 632

BLK = 1000
NBLK = N // BLK


def _segsum_body(x_hbm, src_hbm, dst_hbm, out_hbm, src_v, dst_v, rows_v,
                 agg_s, sem):
    cid = lax.axis_index("c")
    sid = lax.axis_index("s")
    wid = sid * NC + cid

    zv = jnp.zeros((16,), jnp.float32)

    def zrow(r, _):
        for c8 in range(8):
            rows_v[r, pl.ds(c8 * 16, 16)] = zv
        return ()

    lax.fori_loop(0, CH, zrow, ())

    for t in range(5):
        c = sid + NS * t

        @pl.when(c < NPAD // 128)
        def _():
            base = pl.multiple_of(c * 128, 8)
            pltpu.sync_copy(rows_v, agg_s.at[pl.ds(base, 128)])

    plsc.subcore_barrier()

    pltpu.sync_copy(src_hbm.at[wid], src_v)
    pltpu.sync_copy(dst_hbm.at[wid], dst_v)

    def body(j, _):
        pltpu.async_copy(x_hbm.at[src_v.at[j]], rows_v, sem).wait()
        pltpu.sync_copy(rows_v, agg_s.at[dst_v.at[j]], add=True)
        return ()

    lax.fori_loop(0, K, body, ())

    plsc.subcore_barrier()
    obase = pl.multiple_of(sid * CP, 8)

    @pl.when(sid < NS - 1)
    def _():
        pltpu.sync_copy(agg_s.at[pl.ds(obase, CP)],
                        out_hbm.at[cid, pl.ds(obase, CP)])

    @pl.when(sid == NS - 1)
    def _():
        last = pl.multiple_of((NS - 1) * CP, 8)
        pltpu.sync_copy(agg_s.at[pl.ds(last, N - (NS - 1) * CP)],
                        out_hbm.at[cid, pl.ds(last, N - (NS - 1) * CP)])


_segsum = pl.kernel(
    _segsum_body,
    mesh=plsc.VectorSubcoreMesh(core_axis_name="c", subcore_axis_name="s"),
    out_type=jax.ShapeDtypeStruct((NC, N, D), jnp.float32),
    scratch_types=[
        pltpu.VMEM((K, CH), jnp.int32),
        pltpu.VMEM((K, CH), jnp.int32),
        pltpu.VMEM((CH, D), jnp.float32),
        pltpu.VMEM_SHARED((NPAD, D), jnp.float32),
        pltpu.SemaphoreType.DMA,
    ],
)


def _layer1_body(x_ref, p0_ref, p1_ref, wr_ref, wn_ref, b_ref, o_ref):
    agg = p0_ref[...] + p1_ref[...]
    acc = jnp.dot(x_ref[...], wr_ref[...], preferred_element_type=jnp.float32)
    acc = acc + jnp.dot(agg, wn_ref[...], preferred_element_type=jnp.float32)
    o_ref[...] = jnp.maximum(acc + b_ref[...], 0.0)


def _layer2_pool_body(h_ref, q0_ref, q1_ref, wr_ref, wn_ref, b_ref, batch_ref,
                      o_ref, acc_ref, cnt_ref):
    i = pl.program_id(0)

    @pl.when(i == 0)
    def _():
        acc_ref[...] = jnp.zeros_like(acc_ref)
        cnt_ref[...] = jnp.zeros_like(cnt_ref)

    agg = q0_ref[...] + q1_ref[...]
    h2 = jnp.dot(h_ref[...], wr_ref[...], preferred_element_type=jnp.float32)
    h2 = h2 + jnp.dot(agg, wn_ref[...], preferred_element_type=jnp.float32)
    h2 = jnp.maximum(h2 + b_ref[...], 0.0)

    bvec = batch_ref[0, 0, :]
    onehot = (bvec[:, None] == lax.broadcasted_iota(jnp.int32, (BLK, G), 1)
              ).astype(jnp.float32)
    acc_ref[...] += lax.dot_general(onehot, h2, (((0,), (0,)), ((), ())),
                                    preferred_element_type=jnp.float32)
    cnt_ref[...] += lax.dot_general(onehot, jnp.ones((BLK, H), jnp.float32),
                                    (((0,), (0,)), ((), ())),
                                    preferred_element_type=jnp.float32)

    @pl.when(i == pl.num_programs(0) - 1)
    def _():
        o_ref[...] = acc_ref[...] / jnp.maximum(cnt_ref[...], 1.0)


_layer1 = pl.pallas_call(
    _layer1_body,
    grid=(NBLK,),
    in_specs=[
        pl.BlockSpec((BLK, D), lambda i: (i, 0)),
        pl.BlockSpec((BLK, D), lambda i: (i, 0)),
        pl.BlockSpec((BLK, D), lambda i: (i, 0)),
        pl.BlockSpec((D, H), lambda i: (0, 0)),
        pl.BlockSpec((D, H), lambda i: (0, 0)),
        pl.BlockSpec((1, H), lambda i: (0, 0)),
    ],
    out_specs=pl.BlockSpec((BLK, H), lambda i: (i, 0)),
    out_shape=jax.ShapeDtypeStruct((N, H), jnp.float32),
)

_layer2_pool = pl.pallas_call(
    _layer2_pool_body,
    grid=(NBLK,),
    in_specs=[
        pl.BlockSpec((BLK, H), lambda i: (i, 0)),
        pl.BlockSpec((BLK, H), lambda i: (i, 0)),
        pl.BlockSpec((BLK, H), lambda i: (i, 0)),
        pl.BlockSpec((H, H), lambda i: (0, 0)),
        pl.BlockSpec((H, H), lambda i: (0, 0)),
        pl.BlockSpec((1, H), lambda i: (0, 0)),
        pl.BlockSpec((1, 1, BLK), lambda i: (i, 0, 0)),
    ],
    out_specs=pl.BlockSpec((G, H), lambda i: (0, 0)),
    out_shape=jax.ShapeDtypeStruct((G, H), jnp.float32),
    scratch_shapes=[
        pltpu.VMEM((G, H), jnp.float32),
        pltpu.VMEM((G, H), jnp.float32),
    ],
)


@jax.jit
def kernel(x, edge_index, batch, W1_root, W1_nei, b1, W2_root, W2_nei, b2):
    src = edge_index[0]
    dst = edge_index[1]
    pad = EPAD - E
    src_p = jnp.concatenate([src, jnp.zeros((pad,), jnp.int32)]
                            ).reshape(NW, K, CH)
    dst_p = jnp.concatenate([dst, jnp.full((pad,), N, jnp.int32)]
                            ).reshape(NW, K, CH)
    batch_r = batch.reshape(NBLK, 1, BLK)

    p = _segsum(x, src_p, dst_p)
    h = _layer1(x, p[0], p[1], W1_root, W1_nei, b1.reshape(1, H))
    q = _segsum(h, src_p, dst_p)
    out = _layer2_pool(h, q[0], q[1], W2_root, W2_nei, b2.reshape(1, H),
                       batch_r)
    return out

# --- scband reference (transcript-rebuilt; emitter-appended) ---
"""Pipeline reference for scband-node-convolution-13151189860864 (READ-ONLY COPY).

The authoritative reference and input builder live on the scoring server;
editing this copy changes nothing except your own understanding.
"""

import jax, jax.numpy as jnp
import numpy as np

N = 10000
E = 320000
D = 128
H = 128
G = 64


def setup_inputs(seed: int = 0) -> dict:
    key = jax.random.key(seed)
    ks = jax.random.split(key, 10)
    x = jax.random.normal(ks[0], (N, D), dtype=jnp.float32)
    edge_index = jax.random.randint(ks[1], (2, E), 0, N, dtype=jnp.int32)
    batch = jnp.sort(jax.random.randint(ks[2], (N,), 0, G, dtype=jnp.int32))
    # GraphConv layer 1: out_i = x_i @ W_root + (sum_{j->i} x_j) @ W_nei + b
    W1_root = jax.random.normal(ks[3], (D, H), dtype=jnp.float32) * 0.05
    W1_nei = jax.random.normal(ks[4], (D, H), dtype=jnp.float32) * 0.05
    b1 = jnp.zeros((H,), dtype=jnp.float32)
    # GraphConv layer 2
    W2_root = jax.random.normal(ks[5], (H, H), dtype=jnp.float32) * 0.05
    W2_nei = jax.random.normal(ks[6], (H, H), dtype=jnp.float32) * 0.05
    b2 = jnp.zeros((H,), dtype=jnp.float32)
    return {"x": x, "edge_index": edge_index, "batch": batch,
            "W1_root": W1_root, "W1_nei": W1_nei, "b1": b1,
            "W2_root": W2_root, "W2_nei": W2_nei, "b2": b2}


def reference(x, edge_index, batch, W1_root, W1_nei, b1, W2_root, W2_nei, b2):
    src = edge_index[0]
    dst = edge_index[1]
    # Layer 1: GraphConv (add aggregation), then ReLU
    agg1 = jax.ops.segment_sum(x[src], dst, num_segments=N)
    h = x @ W1_root + agg1 @ W1_nei + b1
    h = jax.nn.relu(h)
    # Layer 2: GraphConv, then ReLU (use_dropout=False)
    agg2 = jax.ops.segment_sum(h[src], dst, num_segments=N)
    h = h @ W2_root + agg2 @ W2_nei + b2
    h = jax.nn.relu(h)
    # global_mean_pool over graphs in batch
    s = jax.ops.segment_sum(h, batch, num_segments=G)
    cnt = jax.ops.segment_sum(jnp.ones((N, 1), dtype=jnp.float32), batch, num_segments=G)
    out = s / jnp.maximum(cnt, 1.0)
    return out

if __name__ == "__main__":
    import jax
    _d = setup_inputs()
    print(jax.jit(kernel)(*tuple(_d.values())))

</pallas_src>

<mosaic_0001>
#map = affine_map<(d0, d1) -> (0, 0)>
#map1 = affine_map<(d0, d1) -> (0, 0, 0)>
module attributes {stable_mosaic.version = 14 : i64} {
  func.func @_segsum_body(%arg0: i32, %arg1: i32, %arg2: memref<10000x128xf32, #tpu.memory_space<hbm>>, %arg3: memref<32x79x128xi32, #tpu.memory_space<hbm>>, %arg4: memref<32x79x128xi32, #tpu.memory_space<hbm>>, %arg5: memref<2x10000x128xf32, #tpu.memory_space<hbm>>, %arg6: memref<79x128xi32, #tpu.memory_space<vmem>>, %arg7: memref<79x128xi32, #tpu.memory_space<vmem>>, %arg8: memref<128x128xf32, #tpu.memory_space<vmem>>, %arg9: memref<10112x128xf32, #tpu.memory_space<vmem_shared>>, %arg10: memref<!tpu.dma_semaphore, #tpu.memory_space<semaphore_mem>>) attributes {dimension_semantics = [#tpu.dimension_semantics<core_parallel>, #tpu.dimension_semantics<subcore_parallel>], iteration_bounds = array<i64: 2, 16>, scalar_prefetch = 0 : i64, scratch_operands = 5 : i64, tpu.core_type = #tpu.core_type<sc_vector_subcore>, window_params = [{transform_indices = #map}, {transform_indices = #map1}, {transform_indices = #map1}, {transform_indices = #map1}]} {
    %mul3A = arith.constant 2 : i32
    %mul3A_0 = arith.muli %arg1, %mul3A : i32
    %add3A = arith.addi %mul3A_0, %arg0 : i32
    %broadcast_in_dim3A = arith.constant 0.000000e+00 : f32
    %broadcast_in_dim3A_1 = vector.broadcast %broadcast_in_dim3A : f32 to vector<16xf32>
    %scan3A = arith.constant 0 : i32
    %scan3A_2 = arith.constant 128 : i32
    %scan3A_3 = arith.addi %scan3A, %scan3A_2 : i32
    %scan3A_4 = arith.constant 1 : i32
    scf.for %scan3A_55 = %scan3A to %scan3A_3 step %scan3A_4  : i32 {
      %swap3A = arith.index_cast %scan3A_55 : i32 to index
      %swap3A_56 = arith.constant 0 : index
      %swap3A_57 = tpu.vector_load %arg8[%swap3A, %swap3A_56] {strides = array<i32>} : memref<128x128xf32, #tpu.memory_space<vmem>>, vector<1x16xf32>,
      %swap3A_58 = vector.shape_cast %swap3A_57 : vector<1x16xf32> to vector<16xf32>
      %swap3A_59 = vector.shape_cast %broadcast_in_dim3A_1 : vector<16xf32> to vector<1x16xf32>
      tpu.vector_store %arg8[%swap3A, %swap3A_56], %swap3A_59 {strides = array<i32>} : memref<128x128xf32, #tpu.memory_space<vmem>>, vector<1x16xf32>,
      %swap3A_60 = arith.index_cast %scan3A_55 : i32 to index
      %swap3A_61 = arith.constant 16 : index
      %swap3A_62 = tpu.vector_load %arg8[%swap3A_60, %swap3A_61] {strides = array<i32>} : memref<128x128xf32, #tpu.memory_space<vmem>>, vector<1x16xf32>,
      %swap3A_63 = vector.shape_cast %swap3A_62 : vector<1x16xf32> to vector<16xf32>
      %swap3A_64 = vector.shape_cast %broadcast_in_dim3A_1 : vector<16xf32> to vector<1x16xf32>
      tpu.vector_store %arg8[%swap3A_60, %swap3A_61], %swap3A_64 {strides = array<i32>} : memref<128x128xf32, #tpu.memory_space<vmem>>, vector<1x16xf32>,
      %swap3A_65 = arith.index_cast %scan3A_55 : i32 to index
      %swap3A_66 = arith.constant 32 : index
      %swap3A_67 = tpu.vector_load %arg8[%swap3A_65, %swap3A_66] {strides = array<i32>} : memref<128x128xf32, #tpu.memory_space<vmem>>, vector<1x16xf32>,
      %swap3A_68 = vector.shape_cast %swap3A_67 : vector<1x16xf32> to vector<16xf32>
      %swap3A_69 = vector.shape_cast %broadcast_in_dim3A_1 : vector<16xf32> to vector<1x16xf32>
      tpu.vector_store %arg8[%swap3A_65, %swap3A_66], %swap3A_69 {strides = array<i32>} : memref<128x128xf32, #tpu.memory_space<vmem>>, vector<1x16xf32>,
      %swap3A_70 = arith.index_cast %scan3A_55 : i32 to index
      %swap3A_71 = arith.constant 48 : index
      %swap3A_72 = tpu.vector_load %arg8[%swap3A_70, %swap3A_71] {strides = array<i32>} : memref<128x128xf32, #tpu.memory_space<vmem>>, vector<1x16xf32>,
      %swap3A_73 = vector.shape_cast %swap3A_72 : vector<1x16xf32> to vector<16xf32>
      %swap3A_74 = vector.shape_cast %broadcast_in_dim3A_1 : vector<16xf32> to vector<1x16xf32>
      tpu.vector_store %arg8[%swap3A_70, %swap3A_71], %swap3A_74 {strides = array<i32>} : memref<128x128xf32, #tpu.memory_space<vmem>>, vector<1x16xf32>,
      %swap3A_75 = arith.index_cast %scan3A_55 : i32 to index
      %swap3A_76 = arith.constant 64 : index
      %swap3A_77 = tpu.vector_load %arg8[%swap3A_75, %swap3A_76] {strides = array<i32>} : memref<128x128xf32, #tpu.memory_space<vmem>>, vector<1x16xf32>,
      %swap3A_78 = vector.shape_cast %swap3A_77 : vector<1x16xf32> to vector<16xf32>
      %swap3A_79 = vector.shape_cast %broadcast_in_dim3A_1 : vector<16xf32> to vector<1x16xf32>
      tpu.vector_store %arg8[%swap3A_75, %swap3A_76], %swap3A_79 {strides = array<i32>} : memref<128x128xf32, #tpu.memory_space<vmem>>, vector<1x16xf32>,
      %swap3A_80 = arith.index_cast %scan3A_55 : i32 to index
      %swap3A_81 = arith.constant 80 : index
      %swap3A_82 = tpu.vector_load %arg8[%swap3A_80, %swap3A_81] {strides = array<i32>} : memref<128x128xf32, #tpu.memory_space<vmem>>, vector<1x16xf32>,
      %swap3A_83 = vector.shape_cast %swap3A_82 : vector<1x16xf32> to vector<16xf32>
      %swap3A_84 = vector.shape_cast %broadcast_in_dim3A_1 : vector<16xf32> to vector<1x16xf32>
      tpu.vector_store %arg8[%swap3A_80, %swap3A_81], %swap3A_84 {strides = array<i32>} : memref<128x128xf32, #tpu.memory_space<vmem>>, vector<1x16xf32>,
      %swap3A_85 = arith.index_cast %scan3A_55 : i32 to index
      %swap3A_86 = arith.constant 96 : index
      %swap3A_87 = tpu.vector_load %arg8[%swap3A_85, %swap3A_86] {strides = array<i32>} : memref<128x128xf32, #tpu.memory_space<vmem>>, vector<1x16xf32>,
      %swap3A_88 = vector.shape_cast %swap3A_87 : vector<1x16xf32> to vector<16xf32>
      %swap3A_89 = vector.shape_cast %broadcast_in_dim3A_1 : vector<16xf32> to vector<1x16xf32>
      tpu.vector_store %arg8[%swap3A_85, %swap3A_86], %swap3A_89 {strides = array<i32>} : memref<128x128xf32, #tpu.memory_space<vmem>>, vector<1x16xf32>,
      %swap3A_90 = arith.index_cast %scan3A_55 : i32 to index
      %swap3A_91 = arith.constant 112 : index
      %swap3A_92 = tpu.vector_load %arg8[%swap3A_90, %swap3A_91] {strides = array<i32>} : memref<128x128xf32, #tpu.memory_space<vmem>>, vector<1x16xf32>,
      %swap3A_93 = vector.shape_cast %swap3A_92 : vector<1x16xf32> to vector<16xf32>
      %swap3A_94 = vector.shape_cast %broadcast_in_dim3A_1 : vector<16xf32> to vector<1x16xf32>
      tpu.vector_store %arg8[%swap3A_90, %swap3A_91], %swap3A_94 {strides = array<i32>} : memref<128x128xf32, #tpu.memory_space<vmem>>, vector<1x16xf32>,
    }
    %scan3A_5 = arith.constant 128 : i32
    %add3A_6 = arith.constant 0 : i32
    %add3A_7 = arith.addi %arg1, %add3A_6 : i32
    %lt3A = arith.constant 79 : i32
    %lt3A_8 = arith.cmpi slt, %add3A_7, %lt3A : i32
    %convert_element_type3A = arith.extui %lt3A_8 : i1 to i32
    %cond3A = arith.constant 0 : i32
    %cond3A_9 = arith.cmpi ne, %convert_element_type3A, %cond3A : i32
    scf.if %cond3A_9 {
      %mul3A_55 = arith.constant 128 : i32
      %mul3A_56 = arith.muli %add3A_7, %mul3A_55 : i32
      %multiple_of3A_57 = tpu.assume_multiple %mul3A_56, 8 : i32
      "tpu.region"() ({
        %run_scoped3A = tpu.sem_alloc : memref<!tpu.dma_semaphore, #tpu.memory_space<semaphore_mem>>
        %dma_start3A = arith.constant 0 : i32
        %dma_start3A_58 = tpu.memref_slice %arg9[%multiple_of3A_57, %dma_start3A] : memref<10112x128xf32, #tpu.memory_space<vmem_shared>> -> memref<128x128xf32, #tpu.memory_space<vmem_shared>>
        %dma_start3A_59 = arith.constant 0 : i32
        %dma_start3A_60 = tpu.memref_slice %arg9[%multiple_of3A_57, %dma_start3A_59] : memref<10112x128xf32, #tpu.memory_space<vmem_shared>> -> memref<128x128xf32, #tpu.memory_space<vmem_shared>>
        tpu.enqueue_dma source(%arg8 : memref<128x128xf32, #tpu.memory_space<vmem>>) target(%dma_start3A_60 : memref<128x128xf32, #tpu.memory_space<vmem_shared>>) target_semaphore(%run_scoped3A : memref<!tpu.dma_semaphore, #tpu.memory_space<semaphore_mem>>)
        %dma_wait3A = arith.constant 0 : i32
        %dma_wait3A_61 = tpu.memref_slice %arg9[%multiple_of3A_57, %dma_wait3A] : memref<10112x128xf32, #tpu.memory_space<vmem_shared>> -> memref<128x128xf32, #tpu.memory_space<vmem_shared>>
        %dma_wait3A_62 = arith.constant 0 : i32
        %dma_wait3A_63 = tpu.memref_slice %arg9[%multiple_of3A_57, %dma_wait3A_62] : memref<10112x128xf32, #tpu.memory_space<vmem_shared>> -> memref<128x128xf32, #tpu.memory_space<vmem_shared>>
        tpu.wait_dma2 semaphore(%run_scoped3A : memref<!tpu.dma_semaphore, #tpu.memory_space<semaphore_mem>>) src(%arg8 : memref<128x128xf32, #tpu.memory_space<vmem>>) dst(%dma_wait3A_63 : memref<128x128xf32, #tpu.memory_space<vmem_shared>>)
        tpu.yield
      }) : () -> ()
    } else {
    }
    %add3A_10 = arith.constant 16 : i32
    %add3A_11 = arith.addi %arg1, %add3A_10 : i32
    %lt3A_12 = arith.constant 79 : i32
    %lt3A_13 = arith.cmpi slt, %add3A_11, %lt3A_12 : i32
    %convert_element_type3A_14 = arith.extui %lt3A_13 : i1 to i32
    %cond3A_15 = arith.constant 0 : i32
    %cond3A_16 = arith.cmpi ne, %convert_element_type3A_14, %cond3A_15 : i32
    scf.if %cond3A_16 {
      %mul3A_55 = arith.constant 128 : i32
      %mul3A_56 = arith.muli %add3A_11, %mul3A_55 : i32
      %multiple_of3A_57 = tpu.assume_multiple %mul3A_56, 8 : i32
      "tpu.region"() ({
        %run_scoped3A = tpu.sem_alloc : memref<!tpu.dma_semaphore, #tpu.memory_space<semaphore_mem>>
        %dma_start3A = arith.constant 0 : i32
        %dma_start3A_58 = tpu.memref_slice %arg9[%multiple_of3A_57, %dma_start3A] : memref<10112x128xf32, #tpu.memory_space<vmem_shared>> -> memref<128x128xf32, #tpu.memory_space<vmem_shared>>
        %dma_start3A_59 = arith.constant 0 : i32
        %dma_start3A_60 = tpu.memref_slice %arg9[%multiple_of3A_57, %dma_start3A_59] : memref<10112x128xf32, #tpu.memory_space<vmem_shared>> -> memref<128x128xf32, #tpu.memory_space<vmem_shared>>
        tpu.enqueue_dma source(%arg8 : memref<128x128xf32, #tpu.memory_space<vmem>>) target(%dma_start3A_60 : memref<128x128xf32, #tpu.memory_space<vmem_shared>>) target_semaphore(%run_scoped3A : memref<!tpu.dma_semaphore, #tpu.memory_space<semaphore_mem>>)
        %dma_wait3A = arith.constant 0 : i32
        %dma_wait3A_61 = tpu.memref_slice %arg9[%multiple_of3A_57, %dma_wait3A] : memref<10112x128xf32, #tpu.memory_space<vmem_shared>> -> memref<128x128xf32, #tpu.memory_space<vmem_shared>>
        %dma_wait3A_62 = arith.constant 0 : i32
        %dma_wait3A_63 = tpu.memref_slice %arg9[%multiple_of3A_57, %dma_wait3A_62] : memref<10112x128xf32, #tpu.memory_space<vmem_shared>> -> memref<128x128xf32, #tpu.memory_space<vmem_shared>>
        tpu.wait_dma2 semaphore(%run_scoped3A : memref<!tpu.dma_semaphore, #tpu.memory_space<semaphore_mem>>) src(%arg8 : memref<128x128xf32, #tpu.memory_space<vmem>>) dst(%dma_wait3A_63 : memref<128x128xf32, #tpu.memory_space<vmem_shared>>)
        tpu.yield
      }) : () -> ()
    } else {
    }
    %add3A_17 = arith.constant 32 : i32
    %add3A_18 = arith.addi %arg1, %add3A_17 : i32
    %lt3A_19 = arith.constant 79 : i32
    %lt3A_20 = arith.cmpi slt, %add3A_18, %lt3A_19 : i32
    %convert_element_type3A_21 = arith.extui %lt3A_20 : i1 to i32
    %cond3A_22 = arith.constant 0 : i32
    %cond3A_23 = arith.cmpi ne, %convert_element_type3A_21, %cond3A_22 : i32
    scf.if %cond3A_23 {
      %mul3A_55 = arith.constant 128 : i32
      %mul3A_56 = arith.muli %add3A_18, %mul3A_55 : i32
      %multiple_of3A_57 = tpu.assume_multiple %mul3A_56, 8 : i32
      "tpu.region"() ({
        %run_scoped3A = tpu.sem_alloc : memref<!tpu.dma_semaphore, #tpu.memory_space<semaphore_mem>>
        %dma_start3A = arith.constant 0 : i32
        %dma_start3A_58 = tpu.memref_slice %arg9[%multiple_of3A_57, %dma_start3A] : memref<10112x128xf32, #tpu.memory_space<vmem_shared>> -> memref<128x128xf32, #tpu.memory_space<vmem_shared>>
        %dma_start3A_59 = arith.constant 0 : i32
        %dma_start3A_60 = tpu.memref_slice %arg9[%multiple_of3A_57, %dma_start3A_59] : memref<10112x128xf32, #tpu.memory_space<vmem_shared>> -> memref<128x128xf32, #tpu.memory_space<vmem_shared>>
        tpu.enqueue_dma source(%arg8 : memref<128x128xf32, #tpu.memory_space<vmem>>) target(%dma_start3A_60 : memref<128x128xf32, #tpu.memory_space<vmem_shared>>) target_semaphore(%run_scoped3A : memref<!tpu.dma_semaphore, #tpu.memory_space<semaphore_mem>>)
        %dma_wait3A = arith.constant 0 : i32
        %dma_wait3A_61 = tpu.memref_slice %arg9[%multiple_of3A_57, %dma_wait3A] : memref<10112x128xf32, #tpu.memory_space<vmem_shared>> -> memref<128x128xf32, #tpu.memory_space<vmem_shared>>
        %dma_wait3A_62 = arith.constant 0 : i32
        %dma_wait3A_63 = tpu.memref_slice %arg9[%multiple_of3A_57, %dma_wait3A_62] : memref<10112x128xf32, #tpu.memory_space<vmem_shared>> -> memref<128x128xf32, #tpu.memory_space<vmem_shared>>
        tpu.wait_dma2 semaphore(%run_scoped3A : memref<!tpu.dma_semaphore, #tpu.memory_space<semaphore_mem>>) src(%arg8 : memref<128x128xf32, #tpu.memory_space<vmem>>) dst(%dma_wait3A_63 : memref<128x128xf32, #tpu.memory_space<vmem_shared>>)
        tpu.yield
      }) : () -> ()
    } else {
    }
    %add3A_24 = arith.constant 48 : i32
    %add3A_25 = arith.addi %arg1, %add3A_24 : i32
    %lt3A_26 = arith.constant 79 : i32
    %lt3A_27 = arith.cmpi slt, %add3A_25, %lt3A_26 : i32
    %convert_element_type3A_28 = arith.extui %lt3A_27 : i1 to i32
    %cond3A_29 = arith.constant 0 : i32
    %cond3A_30 = arith.cmpi ne, %convert_element_type3A_28, %cond3A_29 : i32
    scf.if %cond3A_30 {
      %mul3A_55 = arith.constant 128 : i32
      %mul3A_56 = arith.muli %add3A_25, %mul3A_55 : i32
      %multiple_of3A_57 = tpu.assume_multiple %mul3A_56, 8 : i32
      "tpu.region"() ({
        %run_scoped3A = tpu.sem_alloc : memref<!tpu.dma_semaphore, #tpu.memory_space<semaphore_mem>>
        %dma_start3A = arith.constant 0 : i32
        %dma_start3A_58 = tpu.memref_slice %arg9[%multiple_of3A_57, %dma_start3A] : memref<10112x128xf32, #tpu.memory_space<vmem_shared>> -> memref<128x128xf32, #tpu.memory_space<vmem_shared>>
        %dma_start3A_59 = arith.constant 0 : i32
        %dma_start3A_60 = tpu.memref_slice %arg9[%multiple_of3A_57, %dma_start3A_59] : memref<10112x128xf32, #tpu.memory_space<vmem_shared>> -> memref<128x128xf32, #tpu.memory_space<vmem_shared>>
        tpu.enqueue_dma source(%arg8 : memref<128x128xf32, #tpu.memory_space<vmem>>) target(%dma_start3A_60 : memref<128x128xf32, #tpu.memory_space<vmem_shared>>) target_semaphore(%run_scoped3A : memref<!tpu.dma_semaphore, #tpu.memory_space<semaphore_mem>>)
        %dma_wait3A = arith.constant 0 : i32
        %dma_wait3A_61 = tpu.memref_slice %arg9[%multiple_of3A_57, %dma_wait3A] : memref<10112x128xf32, #tpu.memory_space<vmem_shared>> -> memref<128x128xf32, #tpu.memory_space<vmem_shared>>
        %dma_wait3A_62 = arith.constant 0 : i32
        %dma_wait3A_63 = tpu.memref_slice %arg9[%multiple_of3A_57, %dma_wait3A_62] : memref<10112x128xf32, #tpu.memory_space<vmem_shared>> -> memref<128x128xf32, #tpu.memory_space<vmem_shared>>
        tpu.wait_dma2 semaphore(%run_scoped3A : memref<!tpu.dma_semaphore, #tpu.memory_space<semaphore_mem>>) src(%arg8 : memref<128x128xf32, #tpu.memory_space<vmem>>) dst(%dma_wait3A_63 : memref<128x128xf32, #tpu.memory_space<vmem_shared>>)
        tpu.yield
      }) : () -> ()
    } else {
    }
    %add3A_31 = arith.constant 64 : i32
    %add3A_32 = arith.addi %arg1, %add3A_31 : i32
    %lt3A_33 = arith.constant 79 : i32
    %lt3A_34 = arith.cmpi slt, %add3A_32, %lt3A_33 : i32
    %convert_element_type3A_35 = arith.extui %lt3A_34 : i1 to i32
    %cond3A_36 = arith.constant 0 : i32
    %cond3A_37 = arith.cmpi ne, %convert_element_type3A_35, %cond3A_36 : i32
    scf.if %cond3A_37 {
      %mul3A_55 = arith.constant 128 : i32
      %mul3A_56 = arith.muli %add3A_32, %mul3A_55 : i32
      %multiple_of3A_57 = tpu.assume_multiple %mul3A_56, 8 : i32
      "tpu.region"() ({
        %run_scoped3A = tpu.sem_alloc : memref<!tpu.dma_semaphore, #tpu.memory_space<semaphore_mem>>
        %dma_start3A = arith.constant 0 : i32
        %dma_start3A_58 = tpu.memref_slice %arg9[%multiple_of3A_57, %dma_start3A] : memref<10112x128xf32, #tpu.memory_space<vmem_shared>> -> memref<128x128xf32, #tpu.memory_space<vmem_shared>>
        %dma_start3A_59 = arith.constant 0 : i32
        %dma_start3A_60 = tpu.memref_slice %arg9[%multiple_of3A_57, %dma_start3A_59] : memref<10112x128xf32, #tpu.memory_space<vmem_shared>> -> memref<128x128xf32, #tpu.memory_space<vmem_shared>>
        tpu.enqueue_dma source(%arg8 : memref<128x128xf32, #tpu.memory_space<vmem>>) target(%dma_start3A_60 : memref<128x128xf32, #tpu.memory_space<vmem_shared>>) target_semaphore(%run_scoped3A : memref<!tpu.dma_semaphore, #tpu.memory_space<semaphore_mem>>)
        %dma_wait3A = arith.constant 0 : i32
        %dma_wait3A_61 = tpu.memref_slice %arg9[%multiple_of3A_57, %dma_wait3A] : memref<10112x128xf32, #tpu.memory_space<vmem_shared>> -> memref<128x128xf32, #tpu.memory_space<vmem_shared>>
        %dma_wait3A_62 = arith.constant 0 : i32
        %dma_wait3A_63 = tpu.memref_slice %arg9[%multiple_of3A_57, %dma_wait3A_62] : memref<10112x128xf32, #tpu.memory_space<vmem_shared>> -> memref<128x128xf32, #tpu.memory_space<vmem_shared>>
        tpu.wait_dma2 semaphore(%run_scoped3A : memref<!tpu.dma_semaphore, #tpu.memory_space<semaphore_mem>>) src(%arg8 : memref<128x128xf32, #tpu.memory_space<vmem>>) dst(%dma_wait3A_63 : memref<128x128xf32, #tpu.memory_space<vmem_shared>>)
        tpu.yield
      }) : () -> ()
    } else {
    }
    %barrier3A = arith.constant 0 : index
    tpu.barrier barrier_id(%barrier3A)
    "tpu.region"() ({
      %run_scoped3A = tpu.sem_alloc : memref<!tpu.dma_semaphore, #tpu.memory_space<semaphore_mem>>
      %dma_start3A = arith.constant 0 : i32
      %dma_start3A_55 = arith.constant 0 : i32
      %dma_start3A_56 = tpu.memref_slice %arg3[%add3A, %dma_start3A, %dma_start3A_55] : memref<32x79x128xi32, #tpu.memory_space<hbm>> -> memref<1x79x128xi32, #tpu.memory_space<hbm>>
      %dma_start3A_57 = tpu.memref_squeeze %dma_start3A_56 : memref<1x79x128xi32, #tpu.memory_space<hbm>> -> memref<79x128xi32, #tpu.memory_space<hbm>>
      %dma_start3A_58 = arith.constant 0 : i32
      %dma_start3A_59 = arith.constant 0 : i32
      %dma_start3A_60 = tpu.memref_slice %arg3[%add3A, %dma_start3A_58, %dma_start3A_59] : memref<32x79x128xi32, #tpu.memory_space<hbm>> -> memref<1x79x128xi32, #tpu.memory_space<hbm>>
      %dma_start3A_61 = tpu.memref_squeeze %dma_start3A_60 : memref<1x79x128xi32, #tpu.memory_space<hbm>> -> memref<79x128xi32, #tpu.memory_space<hbm>>
      tpu.enqueue_dma source(%dma_start3A_61 : memref<79x128xi32, #tpu.memory_space<hbm>>) target(%arg6 : memref<79x128xi32, #tpu.memory_space<vmem>>) target_semaphore(%run_scoped3A : memref<!tpu.dma_semaphore, #tpu.memory_space<semaphore_mem>>)
      %dma_wait3A = arith.constant 0 : i32
      %dma_wait3A_62 = arith.constant 0 : i32
      %dma_wait3A_63 = tpu.memref_slice %arg3[%add3A, %dma_wait3A, %dma_wait3A_62] : memref<32x79x128xi32, #tpu.memory_space<hbm>> -> memref<1x79x128xi32, #tpu.memory_space<hbm>>
      %dma_wait3A_64 = tpu.memref_squeeze %dma_wait3A_63 : memref<1x79x128xi32, #tpu.memory_space<hbm>> -> memref<79x128xi32, #tpu.memory_space<hbm>>
      %dma_wait3A_65 = arith.constant 0 : i32
      %dma_wait3A_66 = arith.constant 0 : i32
      %dma_wait3A_67 = tpu.memref_slice %arg3[%add3A, %dma_wait3A_65, %dma_wait3A_66] : memref<32x79x128xi32, #tpu.memory_space<hbm>> -> memref<1x79x128xi32, #tpu.memory_space<hbm>>
      %dma_wait3A_68 = tpu.memref_squeeze %dma_wait3A_67 : memref<1x79x128xi32, #tpu.memory_space<hbm>> -> memref<79x128xi32, #tpu.memory_space<hbm>>
      tpu.wait_dma2 semaphore(%run_scoped3A : memref<!tpu.dma_semaphore, #tpu.memory_space<semaphore_mem>>) src(%dma_wait3A_68 : memref<79x128xi32, #tpu.memory_space<hbm>>) dst(%arg6 : memref<79x128xi32, #tpu.memory_space<vmem>>)
      tpu.yield
    }) : () -> ()
    "tpu.region"() ({
      %run_scoped3A = tpu.sem_alloc : memref<!tpu.dma_semaphore, #tpu.memory_space<semaphore_mem>>
      %dma_start3A = arith.constant 0 : i32
      %dma_start3A_55 = arith.constant 0 : i32
      %dma_start3A_56 = tpu.memref_slice %arg4[%add3A, %dma_start3A, %dma_start3A_55] : memref<32x79x128xi32, #tpu.memory_space<hbm>> -> memref<1x79x128xi32, #tpu.memory_space<hbm>>
      %dma_start3A_57 = tpu.memref_squeeze %dma_start3A_56 : memref<1x79x128xi32, #tpu.memory_space<hbm>> -> memref<79x128xi32, #tpu.memory_space<hbm>>
      %dma_start3A_58 = arith.constant 0 : i32
      %dma_start3A_59 = arith.constant 0 : i32
      %dma_start3A_60 = tpu.memref_slice %arg4[%add3A, %dma_start3A_58, %dma_start3A_59] : memref<32x79x128xi32, #tpu.memory_space<hbm>> -> memref<1x79x128xi32, #tpu.memory_space<hbm>>
      %dma_start3A_61 = tpu.memref_squeeze %dma_start3A_60 : memref<1x79x128xi32, #tpu.memory_space<hbm>> -> memref<79x128xi32, #tpu.memory_space<hbm>>
      tpu.enqueue_dma source(%dma_start3A_61 : memref<79x128xi32, #tpu.memory_space<hbm>>) target(%arg7 : memref<79x128xi32, #tpu.memory_space<vmem>>) target_semaphore(%run_scoped3A : memref<!tpu.dma_semaphore, #tpu.memory_space<semaphore_mem>>)
      %dma_wait3A = arith.constant 0 : i32
      %dma_wait3A_62 = arith.constant 0 : i32
      %dma_wait3A_63 = tpu.memref_slice %arg4[%add3A, %dma_wait3A, %dma_wait3A_62] : memref<32x79x128xi32, #tpu.memory_space<hbm>> -> memref<1x79x128xi32, #tpu.memory_space<hbm>>
      %dma_wait3A_64 = tpu.memref_squeeze %dma_wait3A_63 : memref<1x79x128xi32, #tpu.memory_space<hbm>> -> memref<79x128xi32, #tpu.memory_space<hbm>>
      %dma_wait3A_65 = arith.constant 0 : i32
      %dma_wait3A_66 = arith.constant 0 : i32
      %dma_wait3A_67 = tpu.memref_slice %arg4[%add3A, %dma_wait3A_65, %dma_wait3A_66] : memref<32x79x128xi32, #tpu.memory_space<hbm>> -> memref<1x79x128xi32, #tpu.memory_space<hbm>>
      %dma_wait3A_68 = tpu.memref_squeeze %dma_wait3A_67 : memref<1x79x128xi32, #tpu.memory_space<hbm>> -> memref<79x128xi32, #tpu.memory_space<hbm>>
      tpu.wait_dma2 semaphore(%run_scoped3A : memref<!tpu.dma_semaphore, #tpu.memory_space<semaphore_mem>>) src(%dma_wait3A_68 : memref<79x128xi32, #tpu.memory_space<hbm>>) dst(%arg7 : memref<79x128xi32, #tpu.memory_space<vmem>>)
      tpu.yield
    }) : () -> ()
    %scan3A_38 = arith.constant 0 : i32
    %scan3A_39 = arith.constant 79 : i32
    %scan3A_40 = arith.addi %scan3A_38, %scan3A_39 : i32
    %scan3A_41 = arith.constant 1 : i32
    scf.for %scan3A_55 = %scan3A_38 to %scan3A_40 step %scan3A_41  : i32 {
      %dma_start3A = arith.constant 0 : i32
      %dma_start3A_56 = tpu.memref_slice %arg6[%scan3A_55, %dma_start3A] : memref<79x128xi32, #tpu.memory_space<vmem>> -> memref<1x128xi32, #tpu.memory_space<vmem>>
      %dma_start3A_57 = tpu.memref_squeeze %dma_start3A_56 : memref<1x128xi32, #tpu.memory_space<vmem>> -> memref<128xi32, #tpu.memory_space<vmem>>
      %dma_start3A_58 = arith.constant 0 : i32
      %dma_start3A_59 = arith.constant 0 : i32
      %dma_start3A_60 = tpu.memref_slice %arg2[%dma_start3A_58, %dma_start3A_59] : memref<10000x128xf32, #tpu.memory_space<hbm>> -> memref<10000x128xf32, #tpu.memory_space<hbm>>
      tpu.enqueue_indirect_dma source(%dma_start3A_60 : memref<10000x128xf32, #tpu.memory_space<hbm>>) target(%arg8 : memref<128x128xf32, #tpu.memory_space<vmem>>) offsets(%dma_start3A_57 : memref<128xi32, #tpu.memory_space<vmem>>) semaphore(%arg10 : memref<!tpu.dma_semaphore, #tpu.memory_space<semaphore_mem>>)
      %dma_wait3A = arith.constant 0 : i32
      %dma_wait3A_61 = tpu.memref_slice %arg6[%scan3A_55, %dma_wait3A] : memref<79x128xi32, #tpu.memory_space<vmem>> -> memref<1x128xi32, #tpu.memory_space<vmem>>
      %dma_wait3A_62 = tpu.memref_squeeze %dma_wait3A_61 : memref<1x128xi32, #tpu.memory_space<vmem>> -> memref<128xi32, #tpu.memory_space<vmem>>
      %dma_wait3A_63 = arith.constant 0 : i32
      %dma_wait3A_64 = arith.constant 0 : i32
      %dma_wait3A_65 = tpu.memref_slice %arg2[%dma_wait3A_63, %dma_wait3A_64] : memref<10000x128xf32, #tpu.memory_space<hbm>> -> memref<10000x128xf32, #tpu.memory_space<hbm>>
      tpu.wait_indirect_dma semaphore(%arg10 : memref<!tpu.dma_semaphore, #tpu.memory_space<semaphore_mem>>) src(%dma_wait3A_65 : memref<10000x128xf32, #tpu.memory_space<hbm>>) dst(%arg8 : memref<128x128xf32, #tpu.memory_space<vmem>>)
      "tpu.region"() ({
        %run_scoped3A = tpu.sem_alloc : memref<!tpu.dma_semaphore, #tpu.memory_space<semaphore_mem>>
        %dma_start3A_66 = arith.constant 0 : i32
        %dma_start3A_67 = tpu.memref_slice %arg7[%scan3A_55, %dma_start3A_66] : memref<79x128xi32, #tpu.memory_space<vmem>> -> memref<1x128xi32, #tpu.memory_space<vmem>>
        %dma_start3A_68 = tpu.memref_squeeze %dma_start3A_67 : memref<1x128xi32, #tpu.memory_space<vmem>> -> memref<128xi32, #tpu.memory_space<vmem>>
        %dma_start3A_69 = arith.constant 0 : i32
        %dma_start3A_70 = arith.constant 0 : i32
        %dma_start3A_71 = tpu.memref_slice %arg9[%dma_start3A_69, %dma_start3A_70] : memref<10112x128xf32, #tpu.memory_space<vmem_shared>> -> memref<10112x128xf32, #tpu.memory_space<vmem_shared>>
        tpu.enqueue_indirect_dma source(%arg8 : memref<128x128xf32, #tpu.memory_space<vmem>>) target(%dma_start3A_71 : memref<10112x128xf32, #tpu.memory_space<vmem_shared>>) offsets(%dma_start3A_68 : memref<128xi32, #tpu.memory_space<vmem>>) semaphore(%run_scoped3A : memref<!tpu.dma_semaphore, #tpu.memory_space<semaphore_mem>>) {add = true}
        %dma_wait3A_72 = arith.constant 0 : i32
        %dma_wait3A_73 = tpu.memref_slice %arg7[%scan3A_55, %dma_wait3A_72] : memref<79x128xi32, #tpu.memory_space<vmem>> -> memref<1x128xi32, #tpu.memory_space<vmem>>
        %dma_wait3A_74 = tpu.memref_squeeze %dma_wait3A_73 : memref<1x128xi32, #tpu.memory_space<vmem>> -> memref<128xi32, #tpu.memory_space<vmem>>
        %dma_wait3A_75 = arith.constant 0 : i32
        %dma_wait3A_76 = arith.constant 0 : i32
        %dma_wait3A_77 = tpu.memref_slice %arg9[%dma_wait3A_75, %dma_wait3A_76] : memref<10112x128xf32, #tpu.memory_space<vmem_shared>> -> memref<10112x128xf32, #tpu.memory_space<vmem_shared>>
        tpu.wait_indirect_dma semaphore(%run_scoped3A : memref<!tpu.dma_semaphore, #tpu.memory_space<semaphore_mem>>) src(%arg8 : memref<128x128xf32, #tpu.memory_space<vmem>>) dst(%dma_wait3A_77 : memref<10112x128xf32, #tpu.memory_space<vmem_shared>>)
        tpu.yield
      }) : () -> ()
    }
    %scan3A_42 = arith.constant 79 : i32
    %barrier3A_43 = arith.constant 0 : index
    tpu.barrier barrier_id(%barrier3A_43)
    %mul3A_44 = arith.constant 632 : i32
    %mul3A_45 = arith.muli %arg1, %mul3A_44 : i32
    %multiple_of3A = tpu.assume_multiple %mul3A_45, 8 : i32
    %lt3A_46 = arith.constant 15 : i32
    %lt3A_47 = arith.cmpi slt, %arg1, %lt3A_46 : i32
    %convert_element_type3A_48 = arith.extui %lt3A_47 : i1 to i32
    %cond3A_49 = arith.constant 0 : i32
    %cond3A_50 = arith.cmpi ne, %convert_element_type3A_48, %cond3A_49 : i32
    scf.if %cond3A_50 {
      "tpu.region"() ({
        %run_scoped3A = tpu.sem_alloc : memref<!tpu.dma_semaphore, #tpu.memory_space<semaphore_mem>>
        %dma_start3A = arith.constant 0 : i32
        %dma_start3A_55 = tpu.memref_slice %arg5[%arg0, %multiple_of3A, %dma_start3A] : memref<2x10000x128xf32, #tpu.memory_space<hbm>> -> memref<1x632x128xf32, #tpu.memory_space<hbm>>
        %dma_start3A_56 = tpu.memref_squeeze %dma_start3A_55 : memref<1x632x128xf32, #tpu.memory_space<hbm>> -> memref<632x128xf32, #tpu.memory_space<hbm>>
        %dma_start3A_57 = arith.constant 0 : i32
        %dma_start3A_58 = tpu.memref_slice %arg9[%multiple_of3A, %dma_start3A_57] : memref<10112x128xf32, #tpu.memory_space<vmem_shared>> -> memref<632x128xf32, #tpu.memory_space<vmem_shared>>
        tpu.enqueue_dma source(%dma_start3A_58 : memref<632x128xf32, #tpu.memory_space<vmem_shared>>) target(%dma_start3A_56 : memref<632x128xf32, #tpu.memory_space<hbm>>) target_semaphore(%run_scoped3A : memref<!tpu.dma_semaphore, #tpu.memory_space<semaphore_mem>>)
        %dma_wait3A = arith.constant 0 : i32
        %dma_wait3A_59 = tpu.memref_slice %arg5[%arg0, %multiple_of3A, %dma_wait3A] : memref<2x10000x128xf32, #tpu.memory_space<hbm>> -> memref<1x632x128xf32, #tpu.memory_space<hbm>>
        %dma_wait3A_60 = tpu.memref_squeeze %dma_wait3A_59 : memref<1x632x128xf32, #tpu.memory_space<hbm>> -> memref<632x128xf32, #tpu.memory_space<hbm>>
        %dma_wait3A_61 = arith.constant 0 : i32
        %dma_wait3A_62 = tpu.memref_slice %arg9[%multiple_of3A, %dma_wait3A_61] : memref<10112x128xf32, #tpu.memory_space<vmem_shared>> -> memref<632x128xf32, #tpu.memory_space<vmem_shared>>
        tpu.wait_dma2 semaphore(%run_scoped3A : memref<!tpu.dma_semaphore, #tpu.memory_space<semaphore_mem>>) src(%dma_wait3A_62 : memref<632x128xf32, #tpu.memory_space<vmem_shared>>) dst(%dma_wait3A_60 : memref<632x128xf32, #tpu.memory_space<hbm>>)
        tpu.yield
      }) : () -> ()
    } else {
    }
    %eq3A = arith.constant 15 : i32
    %eq3A_51 = arith.cmpi eq, %arg1, %eq3A : i32
    %convert_element_type3A_52 = arith.extui %eq3A_51 : i1 to i32
    %cond3A_53 = arith.constant 0 : i32
    %cond3A_54 = arith.cmpi ne, %convert_element_type3A_52, %cond3A_53 : i32
    scf.if %cond3A_54 {
      %multiple_of3A_55 = arith.constant 9480 : i32
      %multiple_of3A_56 = tpu.assume_multiple %multiple_of3A_55, 8 : i32
      "tpu.region"() ({
        %run_scoped3A = tpu.sem_alloc : memref<!tpu.dma_semaphore, #tpu.memory_space<semaphore_mem>>
        %dma_start3A = arith.constant 0 : i32
        %dma_start3A_57 = tpu.memref_slice %arg5[%arg0, %multiple_of3A_56, %dma_start3A] : memref<2x10000x128xf32, #tpu.memory_space<hbm>> -> memref<1x520x128xf32, #tpu.memory_space<hbm>>
        %dma_start3A_58 = tpu.memref_squeeze %dma_start3A_57 : memref<1x520x128xf32, #tpu.memory_space<hbm>> -> memref<520x128xf32, #tpu.memory_space<hbm>>
        %dma_start3A_59 = arith.constant 0 : i32
        %dma_start3A_60 = tpu.memref_slice %arg9[%multiple_of3A_56, %dma_start3A_59] : memref<10112x128xf32, #tpu.memory_space<vmem_shared>> -> memref<520x128xf32, #tpu.memory_space<vmem_shared>>
        tpu.enqueue_dma source(%dma_start3A_60 : memref<520x128xf32, #tpu.memory_space<vmem_shared>>) target(%dma_start3A_58 : memref<520x128xf32, #tpu.memory_space<hbm>>) target_semaphore(%run_scoped3A : memref<!tpu.dma_semaphore, #tpu.memory_space<semaphore_mem>>)
        %dma_wait3A = arith.constant 0 : i32
        %dma_wait3A_61 = tpu.memref_slice %arg5[%arg0, %multiple_of3A_56, %dma_wait3A] : memref<2x10000x128xf32, #tpu.memory_space<hbm>> -> memref<1x520x128xf32, #tpu.memory_space<hbm>>
        %dma_wait3A_62 = tpu.memref_squeeze %dma_wait3A_61 : memref<1x520x128xf32, #tpu.memory_space<hbm>> -> memref<520x128xf32, #tpu.memory_space<hbm>>
        %dma_wait3A_63 = arith.constant 0 : i32
        %dma_wait3A_64 = tpu.memref_slice %arg9[%multiple_of3A_56, %dma_wait3A_63] : memref<10112x128xf32, #tpu.memory_space<vmem_shared>> -> memref<520x128xf32, #tpu.memory_space<vmem_shared>>
        tpu.wait_dma2 semaphore(%run_scoped3A : memref<!tpu.dma_semaphore, #tpu.memory_space<semaphore_mem>>) src(%dma_wait3A_64 : memref<520x128xf32, #tpu.memory_space<vmem_shared>>) dst(%dma_wait3A_62 : memref<520x128xf32, #tpu.memory_space<hbm>>)
        tpu.yield
      }) : () -> ()
    } else {
    }
    return
  }
}

#map = affine_map<(d0, d1) -> (0, 0)>
#map1 = affine_map<(d0, d1) -> (0, 0, 0)>
module attributes {stable_mosaic.version = 14 : i64} {
  func.func @_segsum_body(%arg0: i32, %arg1: i32, %arg2: memref<10000x128xf32, #tpu.memory_space<hbm>>, %arg3: memref<32x79x128xi32, #tpu.memory_space<hbm>>, %arg4: memref<32x79x128xi32, #tpu.memory_space<hbm>>, %arg5: memref<2x10000x128xf32, #tpu.memory_space<hbm>>, %arg6: memref<79x128xi32, #tpu.memory_space<vmem>>, %arg7: memref<79x128xi32, #tpu.memory_space<vmem>>, %arg8: memref<128x128xf32, #tpu.memory_space<vmem>>, %arg9: memref<10112x128xf32, #tpu.memory_space<vmem_shared>>, %arg10: memref<!tpu.dma_semaphore, #tpu.memory_space<semaphore_mem>>) attributes {dimension_semantics = [#tpu.dimension_semantics<core_parallel>, #tpu.dimension_semantics<subcore_parallel>], iteration_bounds = array<i64: 2, 16>, scalar_prefetch = 0 : i64, scratch_operands = 5 : i64, tpu.core_type = #tpu.core_type<sc_vector_subcore>, window_params = [{transform_indices = #map}, {transform_indices = #map1}, {transform_indices = #map1}, {transform_indices = #map1}]} {
    %mul3A = arith.constant 2 : i32
    %mul3A_0 = arith.muli %arg1, %mul3A : i32
    %add3A = arith.addi %mul3A_0, %arg0 : i32
    %broadcast_in_dim3A = arith.constant 0.000000e+00 : f32
    %broadcast_in_dim3A_1 = vector.broadcast %broadcast_in_dim3A : f32 to vector<16xf32>
    %scan3A = arith.constant 0 : i32
    %scan3A_2 = arith.constant 128 : i32
    %scan3A_3 = arith.addi %scan3A, %scan3A_2 : i32
    %scan3A_4 = arith.constant 1 : i32
    scf.for %scan3A_55 = %scan3A to %scan3A_3 step %scan3A_4  : i32 {
      %swap3A = arith.index_cast %scan3A_55 : i32 to index
      %swap3A_56 = arith.constant 0 : index
      %swap3A_57 = tpu.vector_load %arg8[%swap3A, %swap3A_56] {strides = array<i32>} : memref<128x128xf32, #tpu.memory_space<vmem>>, vector<1x16xf32>,
      %swap3A_58 = vector.shape_cast %swap3A_57 : vector<1x16xf32> to vector<16xf32>
      %swap3A_59 = vector.shape_cast %broadcast_in_dim3A_1 : vector<16xf32> to vector<1x16xf32>
      tpu.vector_store %arg8[%swap3A, %swap3A_56], %swap3A_59 {strides = array<i32>} : memref<128x128xf32, #tpu.memory_space<vmem>>, vector<1x16xf32>,
      %swap3A_60 = arith.index_cast %scan3A_55 : i32 to index
      %swap3A_61 = arith.constant 16 : index
      %swap3A_62 = tpu.vector_load %arg8[%swap3A_60, %swap3A_61] {strides = array<i32>} : memref<128x128xf32, #tpu.memory_space<vmem>>, vector<1x16xf32>,
      %swap3A_63 = vector.shape_cast %swap3A_62 : vector<1x16xf32> to vector<16xf32>
      %swap3A_64 = vector.shape_cast %broadcast_in_dim3A_1 : vector<16xf32> to vector<1x16xf32>
      tpu.vector_store %arg8[%swap3A_60, %swap3A_61], %swap3A_64 {strides = array<i32>} : memref<128x128xf32, #tpu.memory_space<vmem>>, vector<1x16xf32>,
      %swap3A_65 = arith.index_cast %scan3A_55 : i32 to index
      %swap3A_66 = arith.constant 32 : index
      %swap3A_67 = tpu.vector_load %arg8[%swap3A_65, %swap3A_66] {strides = array<i32>} : memref<128x128xf32, #tpu.memory_space<vmem>>, vector<1x16xf32>,
      %swap3A_68 = vector.shape_cast %swap3A_67 : vector<1x16xf32> to vector<16xf32>
      %swap3A_69 = vector.shape_cast %broadcast_in_dim3A_1 : vector<16xf32> to vector<1x16xf32>
      tpu.vector_store %arg8[%swap3A_65, %swap3A_66], %swap3A_69 {strides = array<i32>} : memref<128x128xf32, #tpu.memory_space<vmem>>, vector<1x16xf32>,
      %swap3A_70 = arith.index_cast %scan3A_55 : i32 to index
      %swap3A_71 = arith.constant 48 : index
      %swap3A_72 = tpu.vector_load %arg8[%swap3A_70, %swap3A_71] {strides = array<i32>} : memref<128x128xf32, #tpu.memory_space<vmem>>, vector<1x16xf32>,
      %swap3A_73 = vector.shape_cast %swap3A_72 : vector<1x16xf32> to vector<16xf32>
      %swap3A_74 = vector.shape_cast %broadcast_in_dim3A_1 : vector<16xf32> to vector<1x16xf32>
      tpu.vector_store %arg8[%swap3A_70, %swap3A_71], %swap3A_74 {strides = array<i32>} : memref<128x128xf32, #tpu.memory_space<vmem>>, vector<1x16xf32>,
      %swap3A_75 = arith.index_cast %scan3A_55 : i32 to index
      %swap3A_76 = arith.constant 64 : index
      %swap3A_77 = tpu.vector_load %arg8[%swap3A_75, %swap3A_76] {strides = array<i32>} : memref<128x128xf32, #tpu.memory_space<vmem>>, vector<1x16xf32>,
      %swap3A_78 = vector.shape_cast %swap3A_77 : vector<1x16xf32> to vector<16xf32>
      %swap3A_79 = vector.shape_cast %broadcast_in_dim3A_1 : vector<16xf32> to vector<1x16xf32>
      tpu.vector_store %arg8[%swap3A_75, %swap3A_76], %swap3A_79 {strides = array<i32>} : memref<128x128xf32, #tpu.memory_space<vmem>>, vector<1x16xf32>,
      %swap3A_80 = arith.index_cast %scan3A_55 : i32 to index
      %swap3A_81 = arith.constant 80 : index
      %swap3A_82 = tpu.vector_load %arg8[%swap3A_80, %swap3A_81] {strides = array<i32>} : memref<128x128xf32, #tpu.memory_space<vmem>>, vector<1x16xf32>,
      %swap3A_83 = vector.shape_cast %swap3A_82 : vector<1x16xf32> to vector<16xf32>
      %swap3A_84 = vector.shape_cast %broadcast_in_dim3A_1 : vector<16xf32> to vector<1x16xf32>
      tpu.vector_store %arg8[%swap3A_80, %swap3A_81], %swap3A_84 {strides = array<i32>} : memref<128x128xf32, #tpu.memory_space<vmem>>, vector<1x16xf32>,
      %swap3A_85 = arith.index_cast %scan3A_55 : i32 to index
      %swap3A_86 = arith.constant 96 : index
      %swap3A_87 = tpu.vector_load %arg8[%swap3A_85, %swap3A_86] {strides = array<i32>} : memref<128x128xf32, #tpu.memory_space<vmem>>, vector<1x16xf32>,
      %swap3A_88 = vector.shape_cast %swap3A_87 : vector<1x16xf32> to vector<16xf32>
      %swap3A_89 = vector.shape_cast %broadcast_in_dim3A_1 : vector<16xf32> to vector<1x16xf32>
      tpu.vector_store %arg8[%swap3A_85, %swap3A_86], %swap3A_89 {strides = array<i32>} : memref<128x128xf32, #tpu.memory_space<vmem>>, vector<1x16xf32>,
      %swap3A_90 = arith.index_cast %scan3A_55 : i32 to index
      %swap3A_91 = arith.constant 112 : index
      %swap3A_92 = tpu.vector_load %arg8[%swap3A_90, %swap3A_91] {strides = array<i32>} : memref<128x128xf32, #tpu.memory_space<vmem>>, vector<1x16xf32>,
      %swap3A_93 = vector.shape_cast %swap3A_92 : vector<1x16xf32> to vector<16xf32>
      %swap3A_94 = vector.shape_cast %broadcast_in_dim3A_1 : vector<16xf32> to vector<1x16xf32>
      tpu.vector_store %arg8[%swap3A_90, %swap3A_91], %swap3A_94 {strides = array<i32>} : memref<128x128xf32, #tpu.memory_space<vmem>>, vector<1x16xf32>,
    }
    %scan3A_5 = arith.constant 128 : i32
    %add3A_6 = arith.constant 0 : i32
    %add3A_7 = arith.addi %arg1, %add3A_6 : i32
    %lt3A = arith.constant 79 : i32
    %lt3A_8 = arith.cmpi slt, %add3A_7, %lt3A : i32
    %convert_element_type3A = arith.extui %lt3A_8 : i1 to i32
    %cond3A = arith.constant 0 : i32
    %cond3A_9 = arith.cmpi ne, %convert_element_type3A, %cond3A : i32
    scf.if %cond3A_9 {
      %mul3A_55 = arith.constant 128 : i32
      %mul3A_56 = arith.muli %add3A_7, %mul3A_55 : i32
      %multiple_of3A_57 = tpu.assume_multiple %mul3A_56, 8 : i32
      "tpu.region"() ({
        %run_scoped3A = tpu.sem_alloc : memref<!tpu.dma_semaphore, #tpu.memory_space<semaphore_mem>>
        %dma_start3A = arith.constant 0 : i32
        %dma_start3A_58 = tpu.memref_slice %arg9[%multiple_of3A_57, %dma_start3A] : memref<10112x128xf32, #tpu.memory_space<vmem_shared>> -> memref<128x128xf32, #tpu.memory_space<vmem_shared>>
        %dma_start3A_59 = arith.constant 0 : i32
        %dma_start3A_60 = tpu.memref_slice %arg9[%multiple_of3A_57, %dma_start3A_59] : memref<10112x128xf32, #tpu.memory_space<vmem_shared>> -> memref<128x128xf32, #tpu.memory_space<vmem_shared>>
        tpu.enqueue_dma source(%arg8 : memref<128x128xf32, #tpu.memory_space<vmem>>) target(%dma_start3A_60 : memref<128x128xf32, #tpu.memory_space<vmem_shared>>) target_semaphore(%run_scoped3A : memref<!tpu.dma_semaphore, #tpu.memory_space<semaphore_mem>>)
        %dma_wait3A = arith.constant 0 : i32
        %dma_wait3A_61 = tpu.memref_slice %arg9[%multiple_of3A_57, %dma_wait3A] : memref<10112x128xf32, #tpu.memory_space<vmem_shared>> -> memref<128x128xf32, #tpu.memory_space<vmem_shared>>
        %dma_wait3A_62 = arith.constant 0 : i32
        %dma_wait3A_63 = tpu.memref_slice %arg9[%multiple_of3A_57, %dma_wait3A_62] : memref<10112x128xf32, #tpu.memory_space<vmem_shared>> -> memref<128x128xf32, #tpu.memory_space<vmem_shared>>
        tpu.wait_dma2 semaphore(%run_scoped3A : memref<!tpu.dma_semaphore, #tpu.memory_space<semaphore_mem>>) src(%arg8 : memref<128x128xf32, #tpu.memory_space<vmem>>) dst(%dma_wait3A_63 : memref<128x128xf32, #tpu.memory_space<vmem_shared>>)
        tpu.yield
      }) : () -> ()
    } else {
    }
    %add3A_10 = arith.constant 16 : i32
    %add3A_11 = arith.addi %arg1, %add3A_10 : i32
    %lt3A_12 = arith.constant 79 : i32
    %lt3A_13 = arith.cmpi slt, %add3A_11, %lt3A_12 : i32
    %convert_element_type3A_14 = arith.extui %lt3A_13 : i1 to i32
    %cond3A_15 = arith.constant 0 : i32
    %cond3A_16 = arith.cmpi ne, %convert_element_type3A_14, %cond3A_15 : i32
    scf.if %cond3A_16 {
      %mul3A_55 = arith.constant 128 : i32
      %mul3A_56 = arith.muli %add3A_11, %mul3A_55 : i32
      %multiple_of3A_57 = tpu.assume_multiple %mul3A_56, 8 : i32
      "tpu.region"() ({
        %run_scoped3A = tpu.sem_alloc : memref<!tpu.dma_semaphore, #tpu.memory_space<semaphore_mem>>
        %dma_start3A = arith.constant 0 : i32
        %dma_start3A_58 = tpu.memref_slice %arg9[%multiple_of3A_57, %dma_start3A] : memref<10112x128xf32, #tpu.memory_space<vmem_shared>> -> memref<128x128xf32, #tpu.memory_space<vmem_shared>>
        %dma_start3A_59 = arith.constant 0 : i32
        %dma_start3A_60 = tpu.memref_slice %arg9[%multiple_of3A_57, %dma_start3A_59] : memref<10112x128xf32, #tpu.memory_space<vmem_shared>> -> memref<128x128xf32, #tpu.memory_space<vmem_shared>>
        tpu.enqueue_dma source(%arg8 : memref<128x128xf32, #tpu.memory_space<vmem>>) target(%dma_start3A_60 : memref<128x128xf32, #tpu.memory_space<vmem_shared>>) target_semaphore(%run_scoped3A : memref<!tpu.dma_semaphore, #tpu.memory_space<semaphore_mem>>)
        %dma_wait3A = arith.constant 0 : i32
        %dma_wait3A_61 = tpu.memref_slice %arg9[%multiple_of3A_57, %dma_wait3A] : memref<10112x128xf32, #tpu.memory_space<vmem_shared>> -> memref<128x128xf32, #tpu.memory_space<vmem_shared>>
        %dma_wait3A_62 = arith.constant 0 : i32
        %dma_wait3A_63 = tpu.memref_slice %arg9[%multiple_of3A_57, %dma_wait3A_62] : memref<10112x128xf32, #tpu.memory_space<vmem_shared>> -> memref<128x128xf32, #tpu.memory_space<vmem_shared>>
        tpu.wait_dma2 semaphore(%run_scoped3A : memref<!tpu.dma_semaphore, #tpu.memory_space<semaphore_mem>>) src(%arg8 : memref<128x128xf32, #tpu.memory_space<vmem>>) dst(%dma_wait3A_63 : memref<128x128xf32, #tpu.memory_space<vmem_shared>>)
        tpu.yield
      }) : () -> ()
    } else {
    }
    %add3A_17 = arith.constant 32 : i32
    %add3A_18 = arith.addi %arg1, %add3A_17 : i32
    %lt3A_19 = arith.constant 79 : i32
    %lt3A_20 = arith.cmpi slt, %add3A_18, %lt3A_19 : i32
    %convert_element_type3A_21 = arith.extui %lt3A_20 : i1 to i32
    %cond3A_22 = arith.constant 0 : i32
    %cond3A_23 = arith.cmpi ne, %convert_element_type3A_21, %cond3A_22 : i32
    scf.if %cond3A_23 {
      %mul3A_55 = arith.constant 128 : i32
      %mul3A_56 = arith.muli %add3A_18, %mul3A_55 : i32
      %multiple_of3A_57 = tpu.assume_multiple %mul3A_56, 8 : i32
      "tpu.region"() ({
        %run_scoped3A = tpu.sem_alloc : memref<!tpu.dma_semaphore, #tpu.memory_space<semaphore_mem>>
        %dma_start3A = arith.constant 0 : i32
        %dma_start3A_58 = tpu.memref_slice %arg9[%multiple_of3A_57, %dma_start3A] : memref<10112x128xf32, #tpu.memory_space<vmem_shared>> -> memref<128x128xf32, #tpu.memory_space<vmem_shared>>
        %dma_start3A_59 = arith.constant 0 : i32
        %dma_start3A_60 = tpu.memref_slice %arg9[%multiple_of3A_57, %dma_start3A_59] : memref<10112x128xf32, #tpu.memory_space<vmem_shared>> -> memref<128x128xf32, #tpu.memory_space<vmem_shared>>
        tpu.enqueue_dma source(%arg8 : memref<128x128xf32, #tpu.memory_space<vmem>>) target(%dma_start3A_60 : memref<128x128xf32, #tpu.memory_space<vmem_shared>>) target_semaphore(%run_scoped3A : memref<!tpu.dma_semaphore, #tpu.memory_space<semaphore_mem>>)
        %dma_wait3A = arith.constant 0 : i32
        %dma_wait3A_61 = tpu.memref_slice %arg9[%multiple_of3A_57, %dma_wait3A] : memref<10112x128xf32, #tpu.memory_space<vmem_shared>> -> memref<128x128xf32, #tpu.memory_space<vmem_shared>>
        %dma_wait3A_62 = arith.constant 0 : i32
        %dma_wait3A_63 = tpu.memref_slice %arg9[%multiple_of3A_57, %dma_wait3A_62] : memref<10112x128xf32, #tpu.memory_space<vmem_shared>> -> memref<128x128xf32, #tpu.memory_space<vmem_shared>>
        tpu.wait_dma2 semaphore(%run_scoped3A : memref<!tpu.dma_semaphore, #tpu.memory_space<semaphore_mem>>) src(%arg8 : memref<128x128xf32, #tpu.memory_space<vmem>>) dst(%dma_wait3A_63 : memref<128x128xf32, #tpu.memory_space<vmem_shared>>)
        tpu.yield
      }) : () -> ()
    } else {
    }
    %add3A_24 = arith.constant 48 : i32
    %add3A_25 = arith.addi %arg1, %add3A_24 : i32
    %lt3A_26 = arith.constant 79 : i32
    %lt3A_27 = arith.cmpi slt, %add3A_25, %lt3A_26 : i32
    %convert_element_type3A_28 = arith.extui %lt3A_27 : i1 to i32
    %cond3A_29 = arith.constant 0 : i32
    %cond3A_30 = arith.cmpi ne, %convert_element_type3A_28, %cond3A_29 : i32
    scf.if %cond3A_30 {
      %mul3A_55 = arith.constant 128 : i32
      %mul3A_56 = arith.muli %add3A_25, %mul3A_55 : i32
      %multiple_of3A_57 = tpu.assume_multiple %mul3A_56, 8 : i32
      "tpu.region"() ({
        %run_scoped3A = tpu.sem_alloc : memref<!tpu.dma_semaphore, #tpu.memory_space<semaphore_mem>>
        %dma_start3A = arith.constant 0 : i32
        %dma_start3A_58 = tpu.memref_slice %arg9[%multiple_of3A_57, %dma_start3A] : memref<10112x128xf32, #tpu.memory_space<vmem_shared>> -> memref<128x128xf32, #tpu.memory_space<vmem_shared>>
        %dma_start3A_59 = arith.constant 0 : i32
        %dma_start3A_60 = tpu.memref_slice %arg9[%multiple_of3A_57, %dma_start3A_59] : memref<10112x128xf32, #tpu.memory_space<vmem_shared>> -> memref<128x128xf32, #tpu.memory_space<vmem_shared>>
        tpu.enqueue_dma source(%arg8 : memref<128x128xf32, #tpu.memory_space<vmem>>) target(%dma_start3A_60 : memref<128x128xf32, #tpu.memory_space<vmem_shared>>) target_semaphore(%run_scoped3A : memref<!tpu.dma_semaphore, #tpu.memory_space<semaphore_mem>>)
        %dma_wait3A = arith.constant 0 : i32
        %dma_wait3A_61 = tpu.memref_slice %arg9[%multiple_of3A_57, %dma_wait3A] : memref<10112x128xf32, #tpu.memory_space<vmem_shared>> -> memref<128x128xf32, #tpu.memory_space<vmem_shared>>
        %dma_wait3A_62 = arith.constant 0 : i32
        %dma_wait3A_63 = tpu.memref_slice %arg9[%multiple_of3A_57, %dma_wait3A_62] : memref<10112x128xf32, #tpu.memory_space<vmem_shared>> -> memref<128x128xf32, #tpu.memory_space<vmem_shared>>
        tpu.wait_dma2 semaphore(%run_scoped3A : memref<!tpu.dma_semaphore, #tpu.memory_space<semaphore_mem>>) src(%arg8 : memref<128x128xf32, #tpu.memory_space<vmem>>) dst(%dma_wait3A_63 : memref<128x128xf32, #tpu.memory_space<vmem_shared>>)
        tpu.yield
      }) : () -> ()
    } else {
    }
    %add3A_31 = arith.constant 64 : i32
    %add3A_32 = arith.addi %arg1, %add3A_31 : i32
    %lt3A_33 = arith.constant 79 : i32
    %lt3A_34 = arith.cmpi slt, %add3A_32, %lt3A_33 : i32
    %convert_element_type3A_35 = arith.extui %lt3A_34 : i1 to i32
    %cond3A_36 = arith.constant 0 : i32
    %cond3A_37 = arith.cmpi ne, %convert_element_type3A_35, %cond3A_36 : i32
    scf.if %cond3A_37 {
      %mul3A_55 = arith.constant 128 : i32
      %mul3A_56 = arith.muli %add3A_32, %mul3A_55 : i32
      %multiple_of3A_57 = tpu.assume_multiple %mul3A_56, 8 : i32
      "tpu.region"() ({
        %run_scoped3A = tpu.sem_alloc : memref<!tpu.dma_semaphore, #tpu.memory_space<semaphore_mem>>
        %dma_start3A = arith.constant 0 : i32
        %dma_start3A_58 = tpu.memref_slice %arg9[%multiple_of3A_57, %dma_start3A] : memref<10112x128xf32, #tpu.memory_space<vmem_shared>> -> memref<128x128xf32, #tpu.memory_space<vmem_shared>>
        %dma_start3A_59 = arith.constant 0 : i32
        %dma_start3A_60 = tpu.memref_slice %arg9[%multiple_of3A_57, %dma_start3A_59] : memref<10112x128xf32, #tpu.memory_space<vmem_shared>> -> memref<128x128xf32, #tpu.memory_space<vmem_shared>>
        tpu.enqueue_dma source(%arg8 : memref<128x128xf32, #tpu.memory_space<vmem>>) target(%dma_start3A_60 : memref<128x128xf32, #tpu.memory_space<vmem_shared>>) target_semaphore(%run_scoped3A : memref<!tpu.dma_semaphore, #tpu.memory_space<semaphore_mem>>)
        %dma_wait3A = arith.constant 0 : i32
        %dma_wait3A_61 = tpu.memref_slice %arg9[%multiple_of3A_57, %dma_wait3A] : memref<10112x128xf32, #tpu.memory_space<vmem_shared>> -> memref<128x128xf32, #tpu.memory_space<vmem_shared>>
        %dma_wait3A_62 = arith.constant 0 : i32
        %dma_wait3A_63 = tpu.memref_slice %arg9[%multiple_of3A_57, %dma_wait3A_62] : memref<10112x128xf32, #tpu.memory_space<vmem_shared>> -> memref<128x128xf32, #tpu.memory_space<vmem_shared>>
        tpu.wait_dma2 semaphore(%run_scoped3A : memref<!tpu.dma_semaphore, #tpu.memory_space<semaphore_mem>>) src(%arg8 : memref<128x128xf32, #tpu.memory_space<vmem>>) dst(%dma_wait3A_63 : memref<128x128xf32, #tpu.memory_space<vmem_shared>>)
        tpu.yield
      }) : () -> ()
    } else {
    }
    %barrier3A = arith.constant 0 : index
    tpu.barrier barrier_id(%barrier3A)
    "tpu.region"() ({
      %run_scoped3A = tpu.sem_alloc : memref<!tpu.dma_semaphore, #tpu.memory_space<semaphore_mem>>
      %dma_start3A = arith.constant 0 : i32
      %dma_start3A_55 = arith.constant 0 : i32
      %dma_start3A_56 = tpu.memref_slice %arg3[%add3A, %dma_start3A, %dma_start3A_55] : memref<32x79x128xi32, #tpu.memory_space<hbm>> -> memref<1x79x128xi32, #tpu.memory_space<hbm>>
      %dma_start3A_57 = tpu.memref_squeeze %dma_start3A_56 : memref<1x79x128xi32, #tpu.memory_space<hbm>> -> memref<79x128xi32, #tpu.memory_space<hbm>>
      %dma_start3A_58 = arith.constant 0 : i32
      %dma_start3A_59 = arith.constant 0 : i32
      %dma_start3A_60 = tpu.memref_slice %arg3[%add3A, %dma_start3A_58, %dma_start3A_59] : memref<32x79x128xi32, #tpu.memory_space<hbm>> -> memref<1x79x128xi32, #tpu.memory_space<hbm>>
      %dma_start3A_61 = tpu.memref_squeeze %dma_start3A_60 : memref<1x79x128xi32, #tpu.memory_space<hbm>> -> memref<79x128xi32, #tpu.memory_space<hbm>>
      tpu.enqueue_dma source(%dma_start3A_61 : memref<79x128xi32, #tpu.memory_space<hbm>>) target(%arg6 : memref<79x128xi32, #tpu.memory_space<vmem>>) target_semaphore(%run_scoped3A : memref<!tpu.dma_semaphore, #tpu.memory_space<semaphore_mem>>)
      %dma_wait3A = arith.constant 0 : i32
      %dma_wait3A_62 = arith.constant 0 : i32
      %dma_wait3A_63 = tpu.memref_slice %arg3[%add3A, %dma_wait3A, %dma_wait3A_62] : memref<32x79x128xi32, #tpu.memory_space<hbm>> -> memref<1x79x128xi32, #tpu.memory_space<hbm>>
      %dma_wait3A_64 = tpu.memref_squeeze %dma_wait3A_63 : memref<1x79x128xi32, #tpu.memory_space<hbm>> -> memref<79x128xi32, #tpu.memory_space<hbm>>
      %dma_wait3A_65 = arith.constant 0 : i32
      %dma_wait3A_66 = arith.constant 0 : i32
      %dma_wait3A_67 = tpu.memref_slice %arg3[%add3A, %dma_wait3A_65, %dma_wait3A_66] : memref<32x79x128xi32, #tpu.memory_space<hbm>> -> memref<1x79x128xi32, #tpu.memory_space<hbm>>
      %dma_wait3A_68 = tpu.memref_squeeze %dma_wait3A_67 : memref<1x79x128xi32, #tpu.memory_space<hbm>> -> memref<79x128xi32, #tpu.memory_space<hbm>>
      tpu.wait_dma2 semaphore(%run_scoped3A : memref<!tpu.dma_semaphore, #tpu.memory_space<semaphore_mem>>) src(%dma_wait3A_68 : memref<79x128xi32, #tpu.memory_space<hbm>>) dst(%arg6 : memref<79x128xi32, #tpu.memory_space<vmem>>)
      tpu.yield
    }) : () -> ()
    "tpu.region"() ({
      %run_scoped3A = tpu.sem_alloc : memref<!tpu.dma_semaphore, #tpu.memory_space<semaphore_mem>>
      %dma_start3A = arith.constant 0 : i32
      %dma_start3A_55 = arith.constant 0 : i32
      %dma_start3A_56 = tpu.memref_slice %arg4[%add3A, %dma_start3A, %dma_start3A_55] : memref<32x79x128xi32, #tpu.memory_space<hbm>> -> memref<1x79x128xi32, #tpu.memory_space<hbm>>
      %dma_start3A_57 = tpu.memref_squeeze %dma_start3A_56 : memref<1x79x128xi32, #tpu.memory_space<hbm>> -> memref<79x128xi32, #tpu.memory_space<hbm>>
      %dma_start3A_58 = arith.constant 0 : i32
      %dma_start3A_59 = arith.constant 0 : i32
      %dma_start3A_60 = tpu.memref_slice %arg4[%add3A, %dma_start3A_58, %dma_start3A_59] : memref<32x79x128xi32, #tpu.memory_space<hbm>> -> memref<1x79x128xi32, #tpu.memory_space<hbm>>
      %dma_start3A_61 = tpu.memref_squeeze %dma_start3A_60 : memref<1x79x128xi32, #tpu.memory_space<hbm>> -> memref<79x128xi32, #tpu.memory_space<hbm>>
      tpu.enqueue_dma source(%dma_start3A_61 : memref<79x128xi32, #tpu.memory_space<hbm>>) target(%arg7 : memref<79x128xi32, #tpu.memory_space<vmem>>) target_semaphore(%run_scoped3A : memref<!tpu.dma_semaphore, #tpu.memory_space<semaphore_mem>>)
      %dma_wait3A = arith.constant 0 : i32
      %dma_wait3A_62 = arith.constant 0 : i32
      %dma_wait3A_63 = tpu.memref_slice %arg4[%add3A, %dma_wait3A, %dma_wait3A_62] : memref<32x79x128xi32, #tpu.memory_space<hbm>> -> memref<1x79x128xi32, #tpu.memory_space<hbm>>
      %dma_wait3A_64 = tpu.memref_squeeze %dma_wait3A_63 : memref<1x79x128xi32, #tpu.memory_space<hbm>> -> memref<79x128xi32, #tpu.memory_space<hbm>>
      %dma_wait3A_65 = arith.constant 0 : i32
      %dma_wait3A_66 = arith.constant 0 : i32
      %dma_wait3A_67 = tpu.memref_slice %arg4[%add3A, %dma_wait3A_65, %dma_wait3A_66] : memref<32x79x128xi32, #tpu.memory_space<hbm>> -> memref<1x79x128xi32, #tpu.memory_space<hbm>>
      %dma_wait3A_68 = tpu.memref_squeeze %dma_wait3A_67 : memref<1x79x128xi32, #tpu.memory_space<hbm>> -> memref<79x128xi32, #tpu.memory_space<hbm>>
      tpu.wait_dma2 semaphore(%run_scoped3A : memref<!tpu.dma_semaphore, #tpu.memory_space<semaphore_mem>>) src(%dma_wait3A_68 : memref<79x128xi32, #tpu.memory_space<hbm>>) dst(%arg7 : memref<79x128xi32, #tpu.memory_space<vmem>>)
      tpu.yield
    }) : () -> ()
    %scan3A_38 = arith.constant 0 : i32
    %scan3A_39 = arith.constant 79 : i32
    %scan3A_40 = arith.addi %scan3A_38, %scan3A_39 : i32
    %scan3A_41 = arith.constant 1 : i32
    scf.for %scan3A_55 = %scan3A_38 to %scan3A_40 step %scan3A_41  : i32 {
      %dma_start3A = arith.constant 0 : i32
      %dma_start3A_56 = tpu.memref_slice %arg6[%scan3A_55, %dma_start3A] : memref<79x128xi32, #tpu.memory_space<vmem>> -> memref<1x128xi32, #tpu.memory_space<vmem>>
      %dma_start3A_57 = tpu.memref_squeeze %dma_start3A_56 : memref<1x128xi32, #tpu.memory_space<vmem>> -> memref<128xi32, #tpu.memory_space<vmem>>
      %dma_start3A_58 = arith.constant 0 : i32
      %dma_start3A_59 = arith.constant 0 : i32
      %dma_start3A_60 = tpu.memref_slice %arg2[%dma_start3A_58, %dma_start3A_59] : memref<10000x128xf32, #tpu.memory_space<hbm>> -> memref<10000x128xf32, #tpu.memory_space<hbm>>
      tpu.enqueue_indirect_dma source(%dma_start3A_60 : memref<10000x128xf32, #tpu.memory_space<hbm>>) target(%arg8 : memref<128x128xf32, #tpu.memory_space<vmem>>) offsets(%dma_start3A_57 : memref<128xi32, #tpu.memory_space<vmem>>) semaphore(%arg10 : memref<!tpu.dma_semaphore, #tpu.memory_space<semaphore_mem>>)
      %dma_wait3A = arith.constant 0 : i32
      %dma_wait3A_61 = tpu.memref_slice %arg6[%scan3A_55, %dma_wait3A] : memref<79x128xi32, #tpu.memory_space<vmem>> -> memref<1x128xi32, #tpu.memory_space<vmem>>
      %dma_wait3A_62 = tpu.memref_squeeze %dma_wait3A_61 : memref<1x128xi32, #tpu.memory_space<vmem>> -> memref<128xi32, #tpu.memory_space<vmem>>
      %dma_wait3A_63 = arith.constant 0 : i32
      %dma_wait3A_64 = arith.constant 0 : i32
      %dma_wait3A_65 = tpu.memref_slice %arg2[%dma_wait3A_63, %dma_wait3A_64] : memref<10000x128xf32, #tpu.memory_space<hbm>> -> memref<10000x128xf32, #tpu.memory_space<hbm>>
      tpu.wait_indirect_dma semaphore(%arg10 : memref<!tpu.dma_semaphore, #tpu.memory_space<semaphore_mem>>) src(%dma_wait3A_65 : memref<10000x128xf32, #tpu.memory_space<hbm>>) dst(%arg8 : memref<128x128xf32, #tpu.memory_space<vmem>>)
      "tpu.region"() ({
        %run_scoped3A = tpu.sem_alloc : memref<!tpu.dma_semaphore, #tpu.memory_space<semaphore_mem>>
        %dma_start3A_66 = arith.constant 0 : i32
        %dma_start3A_67 = tpu.memref_slice %arg7[%scan3A_55, %dma_start3A_66] : memref<79x128xi32, #tpu.memory_space<vmem>> -> memref<1x128xi32, #tpu.memory_space<vmem>>
        %dma_start3A_68 = tpu.memref_squeeze %dma_start3A_67 : memref<1x128xi32, #tpu.memory_space<vmem>> -> memref<128xi32, #tpu.memory_space<vmem>>
        %dma_start3A_69 = arith.constant 0 : i32
        %dma_start3A_70 = arith.constant 0 : i32
        %dma_start3A_71 = tpu.memref_slice %arg9[%dma_start3A_69, %dma_start3A_70] : memref<10112x128xf32, #tpu.memory_space<vmem_shared>> -> memref<10112x128xf32, #tpu.memory_space<vmem_shared>>
        tpu.enqueue_indirect_dma source(%arg8 : memref<128x128xf32, #tpu.memory_space<vmem>>) target(%dma_start3A_71 : memref<10112x128xf32, #tpu.memory_space<vmem_shared>>) offsets(%dma_start3A_68 : memref<128xi32, #tpu.memory_space<vmem>>) semaphore(%run_scoped3A : memref<!tpu.dma_semaphore, #tpu.memory_space<semaphore_mem>>) {add = true}
        %dma_wait3A_72 = arith.constant 0 : i32
        %dma_wait3A_73 = tpu.memref_slice %arg7[%scan3A_55, %dma_wait3A_72] : memref<79x128xi32, #tpu.memory_space<vmem>> -> memref<1x128xi32, #tpu.memory_space<vmem>>
        %dma_wait3A_74 = tpu.memref_squeeze %dma_wait3A_73 : memref<1x128xi32, #tpu.memory_space<vmem>> -> memref<128xi32, #tpu.memory_space<vmem>>
        %dma_wait3A_75 = arith.constant 0 : i32
        %dma_wait3A_76 = arith.constant 0 : i32
        %dma_wait3A_77 = tpu.memref_slice %arg9[%dma_wait3A_75, %dma_wait3A_76] : memref<10112x128xf32, #tpu.memory_space<vmem_shared>> -> memref<10112x128xf32, #tpu.memory_space<vmem_shared>>
        tpu.wait_indirect_dma semaphore(%run_scoped3A : memref<!tpu.dma_semaphore, #tpu.memory_space<semaphore_mem>>) src(%arg8 : memref<128x128xf32, #tpu.memory_space<vmem>>) dst(%dma_wait3A_77 : memref<10112x128xf32, #tpu.memory_space<vmem_shared>>)
        tpu.yield
      }) : () -> ()
    }
    %scan3A_42 = arith.constant 79 : i32
    %barrier3A_43 = arith.constant 0 : index
    tpu.barrier barrier_id(%barrier3A_43)
    %mul3A_44 = arith.constant 632 : i32
    %mul3A_45 = arith.muli %arg1, %mul3A_44 : i32
    %multiple_of3A = tpu.assume_multiple %mul3A_45, 8 : i32
    %lt3A_46 = arith.constant 15 : i32
    %lt3A_47 = arith.cmpi slt, %arg1, %lt3A_46 : i32
    %convert_element_type3A_48 = arith.extui %lt3A_47 : i1 to i32
    %cond3A_49 = arith.constant 0 : i32
    %cond3A_50 = arith.cmpi ne, %convert_element_type3A_48, %cond3A_49 : i32
    scf.if %cond3A_50 {
      "tpu.region"() ({
        %run_scoped3A = tpu.sem_alloc : memref<!tpu.dma_semaphore, #tpu.memory_space<semaphore_mem>>
        %dma_start3A = arith.constant 0 : i32
        %dma_start3A_55 = tpu.memref_slice %arg5[%arg0, %multiple_of3A, %dma_start3A] : memref<2x10000x128xf32, #tpu.memory_space<hbm>> -> memref<1x632x128xf32, #tpu.memory_space<hbm>>
        %dma_start3A_56 = tpu.memref_squeeze %dma_start3A_55 : memref<1x632x128xf32, #tpu.memory_space<hbm>> -> memref<632x128xf32, #tpu.memory_space<hbm>>
        %dma_start3A_57 = arith.constant 0 : i32
        %dma_start3A_58 = tpu.memref_slice %arg9[%multiple_of3A, %dma_start3A_57] : memref<10112x128xf32, #tpu.memory_space<vmem_shared>> -> memref<632x128xf32, #tpu.memory_space<vmem_shared>>
        tpu.enqueue_dma source(%dma_start3A_58 : memref<632x128xf32, #tpu.memory_space<vmem_shared>>) target(%dma_start3A_56 : memref<632x128xf32, #tpu.memory_space<hbm>>) target_semaphore(%run_scoped3A : memref<!tpu.dma_semaphore, #tpu.memory_space<semaphore_mem>>)
        %dma_wait3A = arith.constant 0 : i32
        %dma_wait3A_59 = tpu.memref_slice %arg5[%arg0, %multiple_of3A, %dma_wait3A] : memref<2x10000x128xf32, #tpu.memory_space<hbm>> -> memref<1x632x128xf32, #tpu.memory_space<hbm>>
        %dma_wait3A_60 = tpu.memref_squeeze %dma_wait3A_59 : memref<1x632x128xf32, #tpu.memory_space<hbm>> -> memref<632x128xf32, #tpu.memory_space<hbm>>
        %dma_wait3A_61 = arith.constant 0 : i32
        %dma_wait3A_62 = tpu.memref_slice %arg9[%multiple_of3A, %dma_wait3A_61] : memref<10112x128xf32, #tpu.memory_space<vmem_shared>> -> memref<632x128xf32, #tpu.memory_space<vmem_shared>>
        tpu.wait_dma2 semaphore(%run_scoped3A : memref<!tpu.dma_semaphore, #tpu.memory_space<semaphore_mem>>) src(%dma_wait3A_62 : memref<632x128xf32, #tpu.memory_space<vmem_shared>>) dst(%dma_wait3A_60 : memref<632x128xf32, #tpu.memory_space<hbm>>)
        tpu.yield
      }) : () -> ()
    } else {
    }
    %eq3A = arith.constant 15 : i32
    %eq3A_51 = arith.cmpi eq, %arg1, %eq3A : i32
    %convert_element_type3A_52 = arith.extui %eq3A_51 : i1 to i32
    %cond3A_53 = arith.constant 0 : i32
    %cond3A_54 = arith.cmpi ne, %convert_element_type3A_52, %cond3A_53 : i32
    scf.if %cond3A_54 {
      %multiple_of3A_55 = arith.constant 9480 : i32
      %multiple_of3A_56 = tpu.assume_multiple %multiple_of3A_55, 8 : i32
      "tpu.region"() ({
        %run_scoped3A = tpu.sem_alloc : memref<!tpu.dma_semaphore, #tpu.memory_space<semaphore_mem>>
        %dma_start3A = arith.constant 0 : i32
        %dma_start3A_57 = tpu.memref_slice %arg5[%arg0, %multiple_of3A_56, %dma_start3A] : memref<2x10000x128xf32, #tpu.memory_space<hbm>> -> memref<1x520x128xf32, #tpu.memory_space<hbm>>
        %dma_start3A_58 = tpu.memref_squeeze %dma_start3A_57 : memref<1x520x128xf32, #tpu.memory_space<hbm>> -> memref<520x128xf32, #tpu.memory_space<hbm>>
        %dma_start3A_59 = arith.constant 0 : i32
        %dma_start3A_60 = tpu.memref_slice %arg9[%multiple_of3A_56, %dma_start3A_59] : memref<10112x128xf32, #tpu.memory_space<vmem_shared>> -> memref<520x128xf32, #tpu.memory_space<vmem_shared>>
        tpu.enqueue_dma source(%dma_start3A_60 : memref<520x128xf32, #tpu.memory_space<vmem_shared>>) target(%dma_start3A_58 : memref<520x128xf32, #tpu.memory_space<hbm>>) target_semaphore(%run_scoped3A : memref<!tpu.dma_semaphore, #tpu.memory_space<semaphore_mem>>)
        %dma_wait3A = arith.constant 0 : i32
        %dma_wait3A_61 = tpu.memref_slice %arg5[%arg0, %multiple_of3A_56, %dma_wait3A] : memref<2x10000x128xf32, #tpu.memory_space<hbm>> -> memref<1x520x128xf32, #tpu.memory_space<hbm>>
        %dma_wait3A_62 = tpu.memref_squeeze %dma_wait3A_61 : memref<1x520x128xf32, #tpu.memory_space<hbm>> -> memref<520x128xf32, #tpu.memory_space<hbm>>
        %dma_wait3A_63 = arith.constant 0 : i32
        %dma_wait3A_64 = tpu.memref_slice %arg9[%multiple_of3A_56, %dma_wait3A_63] : memref<10112x128xf32, #tpu.memory_space<vmem_shared>> -> memref<520x128xf32, #tpu.memory_space<vmem_shared>>
        tpu.wait_dma2 semaphore(%run_scoped3A : memref<!tpu.dma_semaphore, #tpu.memory_space<semaphore_mem>>) src(%dma_wait3A_64 : memref<520x128xf32, #tpu.memory_space<vmem_shared>>) dst(%dma_wait3A_62 : memref<520x128xf32, #tpu.memory_space<hbm>>)
        tpu.yield
      }) : () -> ()
    } else {
    }
    return
  }
}

module attributes {stable_mosaic.version = 14 : i64} {
  func.func @_layer1_body(%arg0: i32, %arg1: memref<1000x128xf32, #tpu.memory_space<vmem>>, %arg2: memref<1000x128xf32, #tpu.memory_space<vmem>>, %arg3: memref<1000x128xf32, #tpu.memory_space<vmem>>, %arg4: memref<128x128xf32, #tpu.memory_space<vmem>>, %arg5: memref<128x128xf32, #tpu.memory_space<vmem>>, %arg6: memref<1x128xf32, #tpu.memory_space<vmem>>, %arg7: memref<1000x128xf32, #tpu.memory_space<vmem>>) attributes {dimension_semantics = [#tpu.dimension_semantics<arbitrary>], iteration_bounds = array<i64: 10>, scalar_prefetch = 0 : i64, scratch_operands = 0 : i64, tpu.core_type = #tpu.core_type<tc>, window_params = [{transform_indices = @transform_0, window_bounds = array<i64: 1000, 128>}, {transform_indices = @transform_1, window_bounds = array<i64: 1000, 128>}, {transform_indices = @transform_2, window_bounds = array<i64: 1000, 128>}, {pipeline_mode = #tpu.pipeline_mode<synchronous>, transform_indices = @transform_3, window_bounds = array<i64: 128, 128>}, {pipeline_mode = #tpu.pipeline_mode<synchronous>, transform_indices = @transform_4, window_bounds = array<i64: 128, 128>}, {pipeline_mode = #tpu.pipeline_mode<synchronous>, transform_indices = @transform_5, window_bounds = array<i64: 1, 128>}, {transform_indices = @transform_6, window_bounds = array<i64: 1000, 128>}]} {
    %get3A = arith.constant 0 : index
    %get3A_0 = arith.constant 0 : index
    %get3A_1 = vector.load %arg2[%get3A, %get3A_0] : memref<1000x128xf32, #tpu.memory_space<vmem>>, vector<1000x128xf32>
    %get3A_2 = arith.constant 0 : index
    %get3A_3 = arith.constant 0 : index
    %get3A_4 = vector.load %arg3[%get3A_2, %get3A_3] : memref<1000x128xf32, #tpu.memory_space<vmem>>, vector<1000x128xf32>
    %add3A = arith.addf %get3A_1, %get3A_4 : vector<1000x128xf32>
    %get3A_5 = arith.constant 0 : index
    %get3A_6 = arith.constant 0 : index
    %get3A_7 = vector.load %arg1[%get3A_5, %get3A_6] : memref<1000x128xf32, #tpu.memory_space<vmem>>, vector<1000x128xf32>
    %get3A_8 = arith.constant 0 : index
    %get3A_9 = arith.constant 0 : index
    %get3A_10 = vector.load %arg4[%get3A_8, %get3A_9] : memref<128x128xf32, #tpu.memory_space<vmem>>, vector<128x128xf32>
    %dot_general3A = arith.constant dense<0.000000e+00> : vector<1000x128xf32>
    %dot_general3A_11 = tpu.matmul %get3A_7, %get3A_10, %dot_general3A {dimension_numbers = #tpu.dot_dimension_numbers<[1], [0], [0], [1], [0, 0, 1, 1], [], []>, transpose_lhs_hint = false} : vector<1000x128xf32>, vector<128x128xf32>, vector<1000x128xf32> -> vector<1000x128xf32>
    %get3A_12 = arith.constant 0 : index
    %get3A_13 = arith.constant 0 : index
    %get3A_14 = vector.load %arg5[%get3A_12, %get3A_13] : memref<128x128xf32, #tpu.memory_space<vmem>>, vector<128x128xf32>
    %dot_general3A_15 = arith.constant dense<0.000000e+00> : vector<1000x128xf32>
    %dot_general3A_16 = tpu.matmul %add3A, %get3A_14, %dot_general3A_15 {dimension_numbers = #tpu.dot_dimension_numbers<[1], [0], [0], [1], [0, 0, 1, 1], [], []>, transpose_lhs_hint = false} : vector<1000x128xf32>, vector<128x128xf32>, vector<1000x128xf32> -> vector<1000x128xf32>
    %add3A_17 = arith.addf %dot_general3A_11, %dot_general3A_16 : vector<1000x128xf32>
    %get3A_18 = arith.constant 0 : index
    %get3A_19 = arith.constant 0 : index
    %get3A_20 = vector.load %arg6[%get3A_18, %get3A_19] : memref<1x128xf32, #tpu.memory_space<vmem>>, vector<1x128xf32>
    %add3A_21 = vector.broadcast %get3A_20 : vector<1x128xf32> to vector<1000x128xf32>
    %add3A_22 = arith.addf %add3A_17, %add3A_21 : vector<1000x128xf32>
    %max3A = arith.constant 0.000000e+00 : f32
    %max3A_23 = vector.broadcast %max3A : f32 to vector<1000x128xf32>
    %max3A_24 = arith.maximumf %add3A_22, %max3A_23 : vector<1000x128xf32>
    %swap3A = arith.constant 0 : index
    %swap3A_25 = arith.constant 0 : index
    %swap3A_26 = vector.load %arg7[%swap3A, %swap3A_25] : memref<1000x128xf32, #tpu.memory_space<vmem>>, vector<1000x128xf32>
    tpu.vector_store %arg7[%swap3A, %swap3A_25], %max3A_24 {strides = array<i32>} : memref<1000x128xf32, #tpu.memory_space<vmem>>, vector<1000x128xf32>,
    return
  }
  func.func @transform_0(%arg0: i32) -> (i32, i32) {
    %c0_i32 = arith.constant 0 : i32
    %c0_i32_0 = arith.constant 0 : i32
    return %arg0, %c0_i32 : i32, i32
  }
  func.func @transform_1(%arg0: i32) -> (i32, i32) {
    %c0_i32 = arith.constant 0 : i32
    %c0_i32_0 = arith.constant 0 : i32
    return %arg0, %c0_i32 : i32, i32
  }
  func.func @transform_2(%arg0: i32) -> (i32, i32) {
    %c0_i32 = arith.constant 0 : i32
    %c0_i32_0 = arith.constant 0 : i32
    return %arg0, %c0_i32 : i32, i32
  }
  func.func @transform_3(%arg0: i32) -> (i32, i32) {
    %c0_i32 = arith.constant 0 : i32
    %c0_i32_0 = arith.constant 0 : i32
    %c0_i32_1 = arith.constant 0 : i32
    return %c0_i32, %c0_i32_0 : i32, i32
  }
  func.func @transform_4(%arg0: i32) -> (i32, i32) {
    %c0_i32 = arith.constant 0 : i32
    %c0_i32_0 = arith.constant 0 : i32
    %c0_i32_1 = arith.constant 0 : i32
    return %c0_i32, %c0_i32_0 : i32, i32
  }
  func.func @transform_5(%arg0: i32) -> (i32, i32) {
    %c0_i32 = arith.constant 0 : i32
    %c0_i32_0 = arith.constant 0 : i32
    %c0_i32_1 = arith.constant 0 : i32
    return %c0_i32, %c0_i32_0 : i32, i32
  }
  func.func @transform_6(%arg0: i32) -> (i32, i32) {
    %c0_i32 = arith.constant 0 : i32
    %c0_i32_0 = arith.constant 0 : i32
    return %arg0, %c0_i32 : i32, i32
  }
}

module attributes {stable_mosaic.version = 14 : i64} {
  func.func @_layer2_pool_body(%arg0: i32, %arg1: memref<1000x128xf32, #tpu.memory_space<vmem>>, %arg2: memref<1000x128xf32, #tpu.memory_space<vmem>>, %arg3: memref<1000x128xf32, #tpu.memory_space<vmem>>, %arg4: memref<128x128xf32, #tpu.memory_space<vmem>>, %arg5: memref<128x128xf32, #tpu.memory_space<vmem>>, %arg6: memref<1x128xf32, #tpu.memory_space<vmem>>, %arg7: memref<1x1x1000xi32, #tpu.memory_space<vmem>>, %arg8: memref<64x128xf32, #tpu.memory_space<vmem>>, %arg9: memref<64x128xf32, #tpu.memory_space<vmem>>, %arg10: memref<64x128xf32, #tpu.memory_space<vmem>>) attributes {dimension_semantics = [#tpu.dimension_semantics<arbitrary>], iteration_bounds = array<i64: 10>, scalar_prefetch = 0 : i64, scratch_operands = 2 : i64, tpu.core_type = #tpu.core_type<tc>, window_params = [{transform_indices = @transform_0, window_bounds = array<i64: 1000, 128>}, {transform_indices = @transform_1, window_bounds = array<i64: 1000, 128>}, {transform_indices = @transform_2, window_bounds = array<i64: 1000, 128>}, {pipeline_mode = #tpu.pipeline_mode<synchronous>, transform_indices = @transform_3, window_bounds = array<i64: 128, 128>}, {pipeline_mode = #tpu.pipeline_mode<synchronous>, transform_indices = @transform_4, window_bounds = array<i64: 128, 128>}, {pipeline_mode = #tpu.pipeline_mode<synchronous>, transform_indices = @transform_5, window_bounds = array<i64: 1, 128>}, {transform_indices = @transform_6, window_bounds = array<i64: 1, 1, 1000>}, {pipeline_mode = #tpu.pipeline_mode<synchronous>, transform_indices = @transform_7, window_bounds = array<i64: 64, 128>}]} {
    %eq3A = arith.constant 0 : i32
    %eq3A_0 = arith.cmpi eq, %arg0, %eq3A : i32
    %convert_element_type3A = arith.extui %eq3A_0 : i1 to i32
    %cond3A = arith.constant 0 : i32
    %cond3A_1 = arith.cmpi ne, %convert_element_type3A, %cond3A : i32
    scf.if %cond3A_1 {
      %broadcast_in_dim3A_60 = arith.constant 0.000000e+00 : f32
      %broadcast_in_dim3A_61 = vector.broadcast %broadcast_in_dim3A_60 : f32 to vector<64x128xf32>
      %swap3A_62 = arith.constant 0 : index
      %swap3A_63 = arith.constant 0 : index
      %swap3A_64 = vector.load %arg9[%swap3A_62, %swap3A_63] : memref<64x128xf32, #tpu.memory_space<vmem>>, vector<64x128xf32>
      tpu.vector_store %arg9[%swap3A_62, %swap3A_63], %broadcast_in_dim3A_61 {strides = array<i32>} : memref<64x128xf32, #tpu.memory_space<vmem>>, vector<64x128xf32>,
      %broadcast_in_dim3A_65 = arith.constant 0.000000e+00 : f32
      %broadcast_in_dim3A_66 = vector.broadcast %broadcast_in_dim3A_65 : f32 to vector<64x128xf32>
      %swap3A_67 = arith.constant 0 : index
      %swap3A_68 = arith.constant 0 : index
      %swap3A_69 = vector.load %arg10[%swap3A_67, %swap3A_68] : memref<64x128xf32, #tpu.memory_space<vmem>>, vector<64x128xf32>
      tpu.vector_store %arg10[%swap3A_67, %swap3A_68], %broadcast_in_dim3A_66 {strides = array<i32>} : memref<64x128xf32, #tpu.memory_space<vmem>>, vector<64x128xf32>,
    } else {
    }
    %get3A = arith.constant 0 : index
    %get3A_2 = arith.constant 0 : index
    %get3A_3 = vector.load %arg2[%get3A, %get3A_2] : memref<1000x128xf32, #tpu.memory_space<vmem>>, vector<1000x128xf32>
    %get3A_4 = arith.constant 0 : index
    %get3A_5 = arith.constant 0 : index
    %get3A_6 = vector.load %arg3[%get3A_4, %get3A_5] : memref<1000x128xf32, #tpu.memory_space<vmem>>, vector<1000x128xf32>
    %add3A = arith.addf %get3A_3, %get3A_6 : vector<1000x128xf32>
    %get3A_7 = arith.constant 0 : index
    %get3A_8 = arith.constant 0 : index
    %get3A_9 = vector.load %arg1[%get3A_7, %get3A_8] : memref<1000x128xf32, #tpu.memory_space<vmem>>, vector<1000x128xf32>
    %get3A_10 = arith.constant 0 : index
    %get3A_11 = arith.constant 0 : index
    %get3A_12 = vector.load %arg4[%get3A_10, %get3A_11] : memref<128x128xf32, #tpu.memory_space<vmem>>, vector<128x128xf32>
    %dot_general3A = arith.constant dense<0.000000e+00> : vector<1000x128xf32>
    %dot_general3A_13 = tpu.matmul %get3A_9, %get3A_12, %dot_general3A {dimension_numbers = #tpu.dot_dimension_numbers<[1], [0], [0], [1], [0, 0, 1, 1], [], []>, transpose_lhs_hint = false} : vector<1000x128xf32>, vector<128x128xf32>, vector<1000x128xf32> -> vector<1000x128xf32>
    %get3A_14 = arith.constant 0 : index
    %get3A_15 = arith.constant 0 : index
    %get3A_16 = vector.load %arg5[%get3A_14, %get3A_15] : memref<128x128xf32, #tpu.memory_space<vmem>>, vector<128x128xf32>
    %dot_general3A_17 = arith.constant dense<0.000000e+00> : vector<1000x128xf32>
    %dot_general3A_18 = tpu.matmul %add3A, %get3A_16, %dot_general3A_17 {dimension_numbers = #tpu.dot_dimension_numbers<[1], [0], [0], [1], [0, 0, 1, 1], [], []>, transpose_lhs_hint = false} : vector<1000x128xf32>, vector<128x128xf32>, vector<1000x128xf32> -> vector<1000x128xf32>
    %add3A_19 = arith.addf %dot_general3A_13, %dot_general3A_18 : vector<1000x128xf32>
    %get3A_20 = arith.constant 0 : index
    %get3A_21 = arith.constant 0 : index
    %get3A_22 = vector.load %arg6[%get3A_20, %get3A_21] : memref<1x128xf32, #tpu.memory_space<vmem>>, vector<1x128xf32>
    %add3A_23 = vector.broadcast %get3A_22 : vector<1x128xf32> to vector<1000x128xf32>
    %add3A_24 = arith.addf %add3A_19, %add3A_23 : vector<1000x128xf32>
    %max3A = arith.constant 0.000000e+00 : f32
    %max3A_25 = vector.broadcast %max3A : f32 to vector<1000x128xf32>
    %max3A_26 = arith.maximumf %add3A_24, %max3A_25 : vector<1000x128xf32>
    %get3A_27 = arith.constant 0 : index
    %get3A_28 = arith.constant 0 : index
    %get3A_29 = arith.constant 0 : index
    %get3A_30 = vector.load %arg7[%get3A_27, %get3A_28, %get3A_29] : memref<1x1x1000xi32, #tpu.memory_space<vmem>>, vector<1x1x1000xi32>
    %get3A_31 = vector.shape_cast %get3A_30 : vector<1x1x1000xi32> to vector<1000xi32>
    %broadcast_in_dim3A = vector.shape_cast %get3A_31 : vector<1000xi32> to vector<1000x1xi32>
    %iota3A = tpu.iota {dimensions = array<i32: 1>} : vector<1000x64xi32>
    %eq3A_32 = vector.broadcast %broadcast_in_dim3A : vector<1000x1xi32> to vector<1000x64xi32>
    %eq3A_33 = arith.cmpi eq, %eq3A_32, %iota3A : vector<1000x64xi32>
    %convert_element_type3A_34 = arith.extui %eq3A_33 : vector<1000x64xi1> to vector<1000x64xi32>
    %convert_element_type3A_35 = arith.sitofp %convert_element_type3A_34 : vector<1000x64xi32> to vector<1000x64xf32>
    %get3A_36 = arith.constant 0 : index
    %get3A_37 = arith.constant 0 : index
    %get3A_38 = vector.load %arg9[%get3A_36, %get3A_37] : memref<64x128xf32, #tpu.memory_space<vmem>>, vector<64x128xf32>
    %dot_general3A_39 = arith.constant dense<0.000000e+00> : vector<64x128xf32>
    %dot_general3A_40 = tpu.matmul %convert_element_type3A_35, %max3A_26, %dot_general3A_39 {dimension_numbers = #tpu.dot_dimension_numbers<[0], [0], [1], [1], [0, 1, 1, 1], [], []>, transpose_lhs_hint = false} : vector<1000x64xf32>, vector<1000x128xf32>, vector<64x128xf32> -> vector<64x128xf32>
    %add3A_41 = arith.addf %get3A_38, %dot_general3A_40 : vector<64x128xf32>
    %swap3A = arith.constant 0 : index
    %swap3A_42 = arith.constant 0 : index
    %swap3A_43 = vector.load %arg9[%swap3A, %swap3A_42] : memref<64x128xf32, #tpu.memory_space<vmem>>, vector<64x128xf32>
    tpu.vector_store %arg9[%swap3A, %swap3A_42], %add3A_41 {strides = array<i32>} : memref<64x128xf32, #tpu.memory_space<vmem>>, vector<64x128xf32>,
    %get3A_44 = arith.constant 0 : index
    %get3A_45 = arith.constant 0 : index
    %get3A_46 = vector.load %arg10[%get3A_44, %get3A_45] : memref<64x128xf32, #tpu.memory_space<vmem>>, vector<64x128xf32>
    %broadcast_in_dim3A_47 = arith.constant 1.000000e+00 : f32
    %broadcast_in_dim3A_48 = vector.broadcast %broadcast_in_dim3A_47 : f32 to vector<1000x128xf32>
    %dot_general3A_49 = arith.constant dense<0.000000e+00> : vector<64x128xf32>
    %dot_general3A_50 = tpu.matmul %convert_element_type3A_35, %broadcast_in_dim3A_48, %dot_general3A_49 {dimension_numbers = #tpu.dot_dimension_numbers<[0], [0], [1], [1], [0, 1, 1, 1], [], []>, transpose_lhs_hint = false} : vector<1000x64xf32>, vector<1000x128xf32>, vector<64x128xf32> -> vector<64x128xf32>
    %add3A_51 = arith.addf %get3A_46, %dot_general3A_50 : vector<64x128xf32>
    %swap3A_52 = arith.constant 0 : index
    %swap3A_53 = arith.constant 0 : index
    %swap3A_54 = vector.load %arg10[%swap3A_52, %swap3A_53] : memref<64x128xf32, #tpu.memory_space<vmem>>, vector<64x128xf32>
    tpu.vector_store %arg10[%swap3A_52, %swap3A_53], %add3A_51 {strides = array<i32>} : memref<64x128xf32, #tpu.memory_space<vmem>>, vector<64x128xf32>,
    %eq3A_55 = arith.constant 9 : i32
    %eq3A_56 = arith.cmpi eq, %arg0, %eq3A_55 : i32
    %convert_element_type3A_57 = arith.extui %eq3A_56 : i1 to i32
    %cond3A_58 = arith.constant 0 : i32
    %cond3A_59 = arith.cmpi ne, %convert_element_type3A_57, %cond3A_58 : i32
    scf.if %cond3A_59 {
      %get3A_60 = arith.constant 0 : index
      %get3A_61 = arith.constant 0 : index
      %get3A_62 = vector.load %arg9[%get3A_60, %get3A_61] : memref<64x128xf32, #tpu.memory_space<vmem>>, vector<64x128xf32>
      %get3A_63 = arith.constant 0 : index
      %get3A_64 = arith.constant 0 : index
      %get3A_65 = vector.load %arg10[%get3A_63, %get3A_64] : memref<64x128xf32, #tpu.memory_space<vmem>>, vector<64x128xf32>
      %max3A_66 = arith.constant 1.000000e+00 : f32
      %max3A_67 = vector.broadcast %max3A_66 : f32 to vector<64x128xf32>
      %max3A_68 = arith.maximumf %get3A_65, %max3A_67 : vector<64x128xf32>
      %div3A = arith.divf %get3A_62, %max3A_68 : vector<64x128xf32>
      %swap3A_69 = arith.constant 0 : index
      %swap3A_70 = arith.constant 0 : index
      %swap3A_71 = vector.load %arg8[%swap3A_69, %swap3A_70] : memref<64x128xf32, #tpu.memory_space<vmem>>, vector<64x128xf32>
      tpu.vector_store %arg8[%swap3A_69, %swap3A_70], %div3A {strides = array<i32>} : memref<64x128xf32, #tpu.memory_space<vmem>>, vector<64x128xf32>,
    } else {
    }
    return
  }
  func.func @transform_0(%arg0: i32) -> (i32, i32) {
    %c0_i32 = arith.constant 0 : i32
    %c0_i32_0 = arith.constant 0 : i32
    return %arg0, %c0_i32 : i32, i32
  }
  func.func @transform_1(%arg0: i32) -> (i32, i32) {
    %c0_i32 = arith.constant 0 : i32
    %c0_i32_0 = arith.constant 0 : i32
    return %arg0, %c0_i32 : i32, i32
  }
  func.func @transform_2(%arg0: i32) -> (i32, i32) {
    %c0_i32 = arith.constant 0 : i32
    %c0_i32_0 = arith.constant 0 : i32
    return %arg0, %c0_i32 : i32, i32
  }
  func.func @transform_3(%arg0: i32) -> (i32, i32) {
    %c0_i32 = arith.constant 0 : i32
    %c0_i32_0 = arith.constant 0 : i32
    %c0_i32_1 = arith.constant 0 : i32
    return %c0_i32, %c0_i32_0 : i32, i32
  }
  func.func @transform_4(%arg0: i32) -> (i32, i32) {
    %c0_i32 = arith.constant 0 : i32
    %c0_i32_0 = arith.constant 0 : i32
    %c0_i32_1 = arith.constant 0 : i32
    return %c0_i32, %c0_i32_0 : i32, i32
  }
  func.func @transform_5(%arg0: i32) -> (i32, i32) {
    %c0_i32 = arith.constant 0 : i32
    %c0_i32_0 = arith.constant 0 : i32
    %c0_i32_1 = arith.constant 0 : i32
    return %c0_i32, %c0_i32_0 : i32, i32
  }
  func.func @transform_6(%arg0: i32) -> (i32, i32, i32) {
    %c0_i32 = arith.constant 0 : i32
    %c0_i32_0 = arith.constant 0 : i32
    %c0_i32_1 = arith.constant 0 : i32
    return %arg0, %c0_i32, %c0_i32_0 : i32, i32, i32
  }
  func.func @transform_7(%arg0: i32) -> (i32, i32) {
    %c0_i32 = arith.constant 0 : i32
    %c0_i32_0 = arith.constant 0 : i32
    %c0_i32_1 = arith.constant 0 : i32
    return %c0_i32, %c0_i32_0 : i32, i32
  }
}

</mosaic_0001>

<sc_bundles>
// kernel: kernel.6.cloned.1.call-start
scs
__scs_entry_jumppad:
0x0: {  	(pc) =	sbr.rel $0x88, $3  }
0x1: {  	(tag) =	ssettag $0x0;
	lr =	simm.s32 $0x1  }
0x2: {  	[smem:$0x3F98] =	sst lr;
	_ =	strace $0xD0000000  }
0x3: {  	_ = 	snop  }
0x4: {  	_ = 	snop  }
0x5: {  	_ = 	snop  }
0x6: {  	_ = 	snop  }
0x7: {  	_ = 	snop  }
__scs_overlays_trampoline_lowered:
0x8: {  	[smem:$0x3FA7] =	sst s0  }
0x9: {  	[smem:$0x3FA8] =	sst s1  }
0xa: {  	[smem:$0x3FA9] =	sst s2  }
0xb: {  	[smem:$0x3FAA] =	sst s3  }
0xc: {  	[smem:$0x3FAB] =	sst s4  }
0xd: {  	[smem:$0x3FAC] =	sst s5  }
0xe: {  	[smem:$0x3FAD] =	sst s6  }
0xf: {  	[smem:$0x3FAE] =	sst s7  }
0x10: {  	[smem:$0x3FAF] =	sst s8  }
0x11: {  	[smem:$0x3FB0] =	sst s9;
	s0 =	simm.s32 @!p0 $0x0  }
0x12: {  	s1 =	sld [smem:$0x3F96];
	s0 =	simm.s32 @p0 $0x1  }
0x13: {  	[smem:$0x3FB1] =	sst s0;
	s0 =	simm.s32 @!p1 $0x0  }
0x14: {  	s2 =	sld [smem:$0x3F95];
	s0 =	simm.s32 @p1 $0x1  }
0x15: {  	[smem:$0x3FB2] =	sst s0;
	s0 =	simm.s32 @!p2 $0x0  }
0x16: {  	s3 =	sld [smem:$0x3FDB];
	s0 =	simm.s32 @p2 $0x1  }
0x17: {  	s4 =	simm.s32 $0x1BF5;
	[smem:$0x3FB4] =	sst s0  }
0x18: {  	s0 =	sld [smem:$0x3F97];
	_ =	swait.ge [sflag:s4], $0x0  }
0x19: {  	s7 =	sld [smem:$0x3F98]  }
0x1a: {  	s8 =	sadd.s32 $0xFFFFE003, lr  }
0x1b: {  	s9 =	sadd.s32 $0xFFFFFEF7, lr;
	s5 =	simm.s32 $0xFFFFFFFF;
	p2 =	slt.u32 s8, $0xFFFFF086  }
0x1c: {  	p1 =	slt.u32 s9, $0xF7A;
	s5 =	simm.s32 @!p2 $0x0  }
0x1d: {  	s5 =	simm.s32 @p1 $0x1;
	p0 =	seq.s32 s7, s2  }
0x1e: {  	s7 =	smul.u32 @!p0 $0xF7A, s2;
	p2 =	seq.s32 @!p0 s5, $0x0  }
0x1f: {  	s9 =	smul.u32 $0xF7A, s1;
	s8 =	simm.s32 @!p0 $0x1BF5;
	p2 =	por !p2, p0  }
0x20: {  	[sflag:s8] =	ssyncset.s32 @!p0 $0xFFFFF086;
	s6 =	sadd.s32 @!p0 s3, s7;
	s7 =	simm.s32 @!p0 $0x108  }
0x21: {  	s3 =	sadd.s32 s3, s9;
	s6 =	sadd.s32 @!p0 $0x88, s6;
	s7 =	simm.s32 @p2 $0x1082  }
0x22: {  	[simem:s7], [sflag:s8] =	dma.local @!p0 [hbm:s6], $0xF7A  }
0x23: {  	s9 =	sor.u32 $0xD0000000, s2;
	s6 =	simm.s32 $0x108;
	_ =	swait.ge @!p0 [sflag:s8], $0x0  }
0x24: {  	s3 =	sadd.s32 $0x88, s3;
	s6 =	simm.s32 @!p1 $0x1082;
	[sflag:s4] =	ssyncset.s32 $0xFFFFF086  }
0x25: {  	[simem:s6], [sflag:s4] =	dma.local [hbm:s3], $0xF7A  }
0x26: {  	[smem:$0x3F98] =	sst s1;
	(tag) =	ssettag s2;
	_ =	strace s9  }
0x27: {  	s1 =	sld [smem:$0x3FA8]  }
0x28: {  	s2 =	sld [smem:$0x3FA9]  }
0x29: {  	s4 =	sld [smem:$0x3FAB]  }
0x2a: {  	p0 =	seq.s32 s5, $0x0;
	s5 =	sld [smem:$0x3FAC]  }
0x2b: {  	s6 =	sld [smem:$0x3FAD]  }
0x2c: {  	s7 =	sld [smem:$0x3FAE]  }
0x2d: {  	s3 =	simm.s32 $0x108;
	s8 =	sld [smem:$0x3FAF]  }
0x2e: {  	s3 =	simm.s32 @!p0 $0x1082;
	s9 =	sld [smem:$0x3FB0]  }
0x2f: {  	lr =	sadd.s32 s0, s3;
	s0 =	sld [smem:$0x3FA7]  }
0x30: {  	s3 =	sld [smem:$0x3FAA]  }
0x31: {  	[smem:$0x3FB3] =	sst s10  }
0x32: {  	s10 =	sld [smem:$0x3FB1];
	_ =	sdelay $0x3  }
0x33: {  	p0 =	seq.s32 s10, $0x1;
	s10 =	sld [smem:$0x3FB3];
	_ =	sdelay $0x3  }
0x34: {  	[smem:$0x3FB3] =	sst s10  }
0x35: {  	s10 =	sld [smem:$0x3FB2];
	_ =	sdelay $0x3  }
0x36: {  	p1 =	seq.s32 s10, $0x1;
	s10 =	sld [smem:$0x3FB3];
	_ =	sdelay $0x3  }
0x37: {  	[smem:$0x3FB3] =	sst s10  }
0x38: {  	s10 =	sld [smem:$0x3FB4]  }
0x39: {  	_ = 	snop;
	(pc) =	sbr.ind lr, $3  }
0x3a: {  	_ = 	snop  }
0x3b: {  	_ = 	snop  }
0x3c: {  	p2 =	seq.s32 s10, $0x1;
	s10 =	sld [smem:$0x3FB3]  }
0x3d: {  	_ =	shalt  }
0x3e: {  	_ =	shalt  }
0x3f: {  	_ =	shalt  }
0x40: {  	_ =	shalt  }
0x41: {  	_ =	shalt  }
0x42: {  	_ =	shalt  }
0x43: {  	_ =	shalt  }
0x44: {  	_ =	shalt  }
0x45: {  	_ =	shalt  }
0x46: {  	_ =	shalt  }
0x47: {  	_ =	shalt  }
0x48: {  	_ =	shalt  }
0x49: {  	_ =	shalt  }
0x4a: {  	_ =	shalt  }
0x4b: {  	_ =	shalt  }
0x4c: {  	_ =	shalt  }
0x4d: {  	_ =	shalt  }
0x4e: {  	_ =	shalt  }
0x4f: {  	_ =	shalt  }
0x50: {  	_ =	shalt  }
0x51: {  	_ =	shalt  }
0x52: {  	_ =	shalt  }
0x53: {  	_ =	shalt  }
0x54: {  	_ =	shalt  }
0x55: {  	_ =	shalt  }
0x56: {  	_ =	shalt  }
0x57: {  	_ =	shalt  }
0x58: {  	_ =	shalt  }
0x59: {  	_ =	shalt  }
0x5a: {  	_ =	shalt  }
0x5b: {  	_ =	shalt  }
0x5c: {  	_ =	shalt  }
0x5d: {  	_ =	shalt  }
0x5e: {  	_ =	shalt  }
0x5f: {  	_ =	shalt  }
0x60: {  	_ =	shalt  }
0x61: {  	_ =	shalt  }
0x62: {  	_ =	shalt  }
0x63: {  	_ =	shalt  }
0x64: {  	_ =	shalt  }
0x65: {  	_ =	shalt  }
0x66: {  	_ =	shalt  }
0x67: {  	_ =	shalt  }
0x68: {  	_ =	shalt  }
0x69: {  	_ =	shalt  }
0x6a: {  	_ =	shalt  }
0x6b: {  	_ =	shalt  }
0x6c: {  	_ =	shalt  }
0x6d: {  	_ =	shalt  }
0x6e: {  	_ =	shalt  }
0x6f: {  	_ =	shalt  }
0x70: {  	_ =	shalt  }
0x71: {  	_ =	shalt  }
0x72: {  	_ =	shalt  }
0x73: {  	_ =	shalt  }
0x74: {  	_ =	shalt  }
0x75: {  	_ =	shalt  }
0x76: {  	_ =	shalt  }
0x77: {  	_ =	shalt  }
0x78: {  	_ =	shalt  }
0x79: {  	_ =	shalt  }
0x7a: {  	_ =	shalt  }
0x7b: {  	_ =	shalt  }
0x7c: {  	_ =	shalt  }
0x7d: {  	_ =	shalt  }
0x7e: {  	_ =	shalt  }
0x7f: {  	_ =	shalt  }
0x80: {  	_ =	shalt  }
0x81: {  	_ =	shalt  }
0x82: {  	_ =	shalt  }
0x83: {  	_ =	shalt  }
0x84: {  	_ =	shalt  }
0x85: {  	_ =	shalt  }
0x86: {  	_ =	shalt  }
0x87: {  	_ =	shalt  }
.Lfunc_end0:
.L_simem_size_0:
called_computation_lowered:
.L_overlay_start_0:
0x88: {  	s2 =	sld [smem:$0x3FD9]  }
0x89: {  	s3 =	sld [smem:$0x3FFE];
	_ =	sdelay $0x1  }
0x8a: {  	s1 =	srdreg.scid  }
0x8b: {  	s0 =	sand.u32 $0x1, s1  }
0x8c: {  	s17 =	sshll.u32 s0, $0xA;
	s2 =	sadd.s32 s3, s2  }
0x8d: {  	s2 =	sadd.s32 s2, s17  }
0x8e: {  	[smem:$0x3FBF] =	sst s2  }
0x8f: {  	_ = 	snop  }
0x90: {  	s2 =	sld [smem:$0x3FC9];
	(tm) =	ssettm $0x1  }
0x91: {  	s18 =	sld [smem:$0x3FFB];
	_ =	sdelay $0x3  }
0x92: {  	_ =	strace s18  }
0x93: {  	s3 =	sld [smem:$0x3FFC];
	_ =	sdelay $0x3  }
0x94: {  	_ =	strace s3  }
0x95: {  	s3 =	sld [smem:$0x3FFD];
	_ =	sdelay $0x3  }
0x96: {  	_ =	strace s3  }
0x97: {  	_ =	strace $0x8FFFFFFF  }
0x98: {  	s19 =	sld [smem:$0x3FDB];
	_ =	sdelay $0x1  }
0x99: {  	s4 =	simm.s32 $_scs_section_size  }
0x9a: {  	s5 =	simm.s32 $_size__tile_overlayer_lowered;
	s6 =	simm.s32 $_tile_overlayer_lowered  }
0x9b: {  	s22 =	simm.s32 $0x1BFF;
	s21 =	sshll.u32 s6, $0x1;
	s3 =	sadd.s32 s4, s19  }
0x9c: {  	s7 =	simm.s32 $0x0;
	s20 =	sshll.u32 s5, $0x1;
	s5 =	sadd.s32 s21, s3  }
0x9d: {  	[timem:s7], [sflag:s22] =	dma.local [hbm:s5], s20  }
0x9e: {  	_ =	swait.ge [sflag:s22], s20  }
0x9f: {  	s4 =	ssub.s32 $0x0, s20;
	[sflag:s22] =	ssyncset.done $0x0  }
0xa0: {  	[sflag:s22] =	ssyncadd.s32 s4;
	_ =	sdelay $0x1  }
0xa1: {  	s23 =	simm.s32 $0x1B8B  }
0xa2: {  	_ =	swait.ge [sflag:s23], $0x1  }
0xa3: {  	[sflag:s23] =	ssyncset.done $0x0  }
0xa4: {  	s25 =	simm.s32 $0x1B8E;
	s24 =	sld [smem:$0x3FFE];
	[sflag:s23] =	ssyncadd.s32 $0xFFFFFFFF  }
0xa5: {  	s26 =	simm.s32 $execute0_lowered;
	[smem:$0x3FD2] =	sst s25  }
0xa6: {  	s5 =	sshll.u32 s26, $0x1;
	_ =	strace $0x80000046;
	[dreg:$0x1] =	wrdreg $0xFFFFFFFF  }
0xa7: {  	s28 =	simm.s32 $_size_execute0_lowered;
	s3 =	sadd.s32 s3, s5;
	[dreg:$0x0] =	wrdreg $0x0  }
0xa8: {  	s5 =	sshll.u32 s28, $0x1;
	[dreg:$0x2] =	wrdreg s3  }
0xa9: {  	[dreg:$0x3] =	wrdreg s5  }
0xaa: {  	[dreg:$0x4] =	wrdreg $0xC0  }
0xab: {  	_ =	task [dreg:s7], $0x5FFFF  }
0xac: {  	[dreg:$0x1] =	wrdreg $0xFFFFFFFF  }
0xad: {  	[dreg:$0x0] =	wrdreg $0x60  }
0xae: {  	[dreg:$0x2] =	wrdreg s2  }
0xaf: {  	[dreg:$0x3] =	wrdreg s24  }
0xb0: {  	[dreg:$0x4] =	wrdreg $0x90000  }
0xb1: {  	[dreg:$0x5] =	wrdreg $0x9  }
0xb2: {  	_ =	task.clear_ibuf [dreg:s7], $0x6FFFF;
	_ =	strace $0x90000046  }
0xb3: {  	s29 =	simm.s32 $0x9;
	_ =	strace $0x80000048  }
0xb4: {  	_ =	swait.ge [sflag:s29], $0x1  }
0xb5: {  	[sflag:s29] =	ssyncadd.s32 $0xFFFFFFFF  }
0xb6: {  	_ =	strace $0x90000048  }
0xb7: {  	_ =	sfence  }
0xb8: {  	s30 =	sld [smem:$0x0];
	_ =	sdelay $0x2  }
0xb9: {  	s31 =	sshll.u32 s1, $0xD;
	s1 =	sshrl.u32 s1, $0x2  }
0xba: {  	s3 =	sand.u32 $0x4000, s31;
	s1 =	sadd.s32 s1, s30  }
0xbb: {  	s0 =	sor.u32 s3, s0;
	s1 =	sshll.u32 s1, $0x11  }
0xbc: {  	s0 =	sor.u32 s1, s0  }
0xbd: {  	s0 =	sadd.s32 $0x8F2B, s0  }
0xbe: {  	[sflag:s0] =	ssyncadd.remote.s32 $0x1  }
0xbf: {  	_ =	sfence.sel $0xFFFF  }
0xc0: {  	[dreg:$0x0] =	wrdreg $0xFFFFFFFF;
	(pc) =	sbr.abs _section_cstart, $3  }
0xc1: {  	[dreg:$0x1] =	wrdreg $0xFFFFFFFF  }
0xc2: {  	_ =	task.clear_ibuf [dreg:s7], $0x2FFFF;
	_ =	strace $0x9FFFFFFF  }
0xc3: {  	(tm) =	ssettm $0x7FFFFFFF  }
tec
execute0_lowered:
.L_overlay_start_1:
0x0: {  	(tag) =	ssettag $0x1  }
0x1: {  	s1 =	rddreg [dreg:$0x0]  }
0x2: {  	s2 =	srdreg.scid;
	s5 =	rddreg [dreg:$0x1]  }
0x3: {  	s0 =	stileid.u32;
	s3 =	rddreg [dreg:$0x2]  }
0x4: {  	s4 =	simm.s32 $0x0;
	s18 =	simm.s32 $0x80;
	s19 =	simm.s32 $0x1  }
0x5: {  	s6 =	sand.u32 $0x1, s2;
	s28 =	sshll.u32 s0, $0x1;
	s2 =	rddreg [dreg:$0x3]  }
0x6: {  	[smem:$0x7FF] =	sst s4;
	s13 =	sadd.s32 $0x16400, s5;
	s15 =	smul.u32 $0x13C00, s0  }
0x7: {  	s30 =	sshll.u32 s0, $0xE;
	s16 =	smul.u32 $0x4F000, s0;
	s20 =	sadd.s32 $0x128400, s3  }
0x8: {  	p0 =	seq.s32 s0, $0xF;
	s7 =	sor.u32 s6, s28;
	_ =	strace $0x80000047  }
0x9: {  	s29 =	ssub.s32 $0x2, s6;
	s12 =	smul.u32 $0x138800, s6;
	s20 =	sshrl.u32 @p0 s20, $0x3  }
0xa: {  	s7 =	smul.u32 $0x500, s7;
	s8 =	sshrl.u32 s29, $0x1;
	s31 =	sshrl.u32 s16, $0x2  }
0xb: {  	s16 =	simm.s32 $0x2;
	s14 =	ssub.s32 s29, s8;
	s15 =	sadd.s32 s15, s12  }
0xc: {  	s17 =	sshrl.u32 s12, $0x3;
	s21 =	sadd.s32 s31, s3;
	s11 =	sadd.s32 s7, s5  }
0xd: {  	s5 =	sadd.s32 s30, s3;
	s15 =	sshrl.u32 s15, $0x3;
	s14 =	smax.u32 s14, $0x1  }
0xe: {  	s21 =	sshrl.u32 @!p0 s21, $0x3;
	s6 =	sadd.s32 $0x40000, s5;
	s7 =	sadd.s32 $0x80000, s5  }
0xf: {  	s8 =	sadd.s32 $0xC0000, s5;
	s9 =	sadd.s32 $0x100000, s5;
	s10 =	sadd.s32 $0x2400, s11  }
0x10: {  	s11 =	sadd.s32 $0xC400, s11;
	s12 =	sadd.s32 s13, s15;
	s13 =	sadd.s32 s13, s17  }
0x11: {  	v0 =	vimm.f32 $0.0e+00;
	s15 =	simm.s32 $0x5000;
	s17 =	simm.s32 $0x2800;
	s13 =	sadd.s32 $0x25080, s13  }
.LBB2_1:
0x12: {  	s22 =	simm.s32 $0x0;
	s23 =	simm.s32 $0x200  }
.LBB2_2:
0x13: {  	p1 =	sne.s32 s23, $0xFE00;
	[tilespmem:s22+$0x5070] =	vst v0  }
0x14: {  	[tilespmem:s22+$0x5000] =	vst v0  }
0x15: {  	[tilespmem:s22+$0x5010] =	vst v0  }
.Ltmp0:
0x16: {  	[tilespmem:s22+$0x5020] =	vst v0;
	(pc) =	sbr.rel @p1 .LBB2_2-.Ltmp0, $4  }
0x17: {  	[tilespmem:s22+$0x5030] =	vst v0  }
0x18: {  	[tilespmem:s22+$0x5040] =	vst v0  }
0x19: {  	[tilespmem:s22+$0x5050] =	vst v0  }
0x1a: {  	[tilespmem:s22+$0x5060] =	vst v0;
	s22 =	sshra.s32 s23, $0x2;
	s23 =	sadd.s32 $0x200, s23  }
0x1b: {  	[tilespmem:s22+$0x5070] =	vst v0  }
0x1c: {  	[tilespmem:s22+$0x5000] =	vst v0  }
0x1d: {  	[tilespmem:s22+$0x5010] =	vst v0  }
0x1e: {  	[tilespmem:s22+$0x5020] =	vst v0  }
0x1f: {  	[tilespmem:s22+$0x5030] =	vst v0  }
0x20: {  	[tilespmem:s22+$0x5040] =	vst v0  }
0x21: {  	[tilespmem:s22+$0x5050] =	vst v0  }
0x22: {  	[tilespmem:s22+$0x5060] =	vst v0  }
0x23: {  	[spmem:s5] =	stream.linear.scatter [tilespmem:s15], [sflag:$0x2], $0x4000, $0x38;
	[tilespmem:$0x1CC00] =	vst v63  }
0x24: {  	_ =	swait.ge [sflag:s16], $0x4000  }
0x25: {  	[sflag:s16] =	ssyncset.done $0x0  }
0x26: {  	[sflag:s16] =	ssyncadd.s32 $0xFFFFC000  }
0x27: {  	[spmem:s6] =	stream.linear.scatter [tilespmem:s15], [sflag:$0x2], $0x4000, $0x38;
	[tilespmem:$0x1CC00] =	vst v63  }
0x28: {  	_ =	swait.ge [sflag:s16], $0x4000  }
0x29: {  	[sflag:s16] =	ssyncset.done $0x0  }
0x2a: {  	[sflag:s16] =	ssyncadd.s32 $0xFFFFC000  }
0x2b: {  	[spmem:s7] =	stream.linear.scatter [tilespmem:s15], [sflag:$0x2], $0x4000, $0x38;
	[tilespmem:$0x1CC00] =	vst v63  }
0x2c: {  	_ =	swait.ge [sflag:s16], $0x4000  }
0x2d: {  	[sflag:s16] =	ssyncset.done $0x0  }
0x2e: {  	[sflag:s16] =	ssyncadd.s32 $0xFFFFC000  }
0x2f: {  	[spmem:s8] =	stream.linear.scatter [tilespmem:s15], [sflag:$0x2], $0x4000, $0x38;
	[tilespmem:$0x1CC00] =	vst v63  }
0x30: {  	_ =	swait.ge [sflag:s16], $0x4000  }
0x31: {  	[sflag:s16] =	ssyncset.done $0x0  }
0x32: {  	s22 =	simm.s32 @!p0 $0x5000;
	[sflag:s16] =	ssyncadd.s32 $0xFFFFC000  }
0x33: {  	[spmem:s9] =	stream.linear.scatter @!p0 [tilespmem:s22], [sflag:$0x2], $0x4000, $0x38;
	[tilespmem:$0x1CC00] =	vst v63  }
0x34: {  	s22 =	simm.s32 @!p0 $0x2  }
0x35: {  	_ =	swait.ge @!p0 [sflag:s22], $0x4000  }
0x36: {  	[sflag:s22] =	ssyncset.done @!p0 $0x0  }
0x37: {  	[sflag:s22] =	ssyncadd.s32 @!p0 $0xFFFFC000  }
0x38: {  	s29 =	simm.s32 $0x0;
	[bflag:$0x0] =	sbarrier.arrive $0xFFFF  }
0x39: {  	[tilespmem:s29], [sflag:$0x2] =	stream.linear.gather [hbm4b:s10+s29], $0x2780, $0x38;
	[tilespmem:$0x1CC00] =	vst v63  }
0x3a: {  	_ =	swait.ge [sflag:s16], $0x2780  }
0x3b: {  	[sflag:s16] =	ssyncset.done $0x0  }
0x3c: {  	[sflag:s16] =	ssyncadd.s32 $0xFFFFD880  }
0x3d: {  	[tilespmem:s17], [sflag:$0x2] =	stream.linear.gather [hbm4b:s11+s29], $0x2780, $0x38;
	[tilespmem:$0x1CC00] =	vst v63  }
0x3e: {  	_ =	swait.ge [sflag:s16], $0x2780  }
0x3f: {  	[sflag:s16] =	ssyncset.done $0x0  }
0x40: {  	s30 =	simm.s32 $0x0;
	[sflag:s16] =	ssyncadd.s32 $0xFFFFD880  }
0x41: {  	[tilespmem:s15], [sflag:$0x1] =	stream.indirect.gather [hbm4b:s1+s18], $0x80, s30, s18, $0xb8;
	[tilespmem:$0x1CC00] =	vst v63  }
0x42: {  	_ =	swait.ge [sflag:s19], $0x4000  }
0x43: {  	[sflag:s19] =	ssyncset.done $0x0  }
0x44: {  	s31 =	simm.s32 $0x2800;
	[sflag:s19] =	ssyncadd.s32 $0xFFFFC000  }
0x45: {  	[spmem:s3] =	stream.indirect.scatter.add.f32 [tilespmem:s15], [sflag:$0x2], $0x80, s31, s18, $0xb8;
	[tilespmem:$0x1CC00] =	vst v63  }
0x46: {  	_ =	swait.ge [sflag:s16], $0x4000  }
0x47: {  	s23 =	simm.s32 $0x400;
	s22 =	simm.s32 $0x200;
	[sflag:s16] =	ssyncset.done $0x0  }
.LBB2_4:
0x48: {  	s24 =	sshra.s32 s22, $0x2  }
0x49: {  	[sflag:s16] =	ssyncadd.s32 $0xFFFFC000;
	s22 =	smov.u32 s23;
	s25 =	sadd.s32 $0x200, s23  }
0x4a: {  	[tilespmem:s15], [sflag:$0x1] =	stream.indirect.gather [hbm4b:s1+s18], $0x80, s24, s18, $0xb8;
	[tilespmem:$0x1CC00] =	vst v63  }
0x4b: {  	p1 =	sne.s32 s23, $0x9C00;
	_ =	swait.ge [sflag:s19], $0x4000  }
.Ltmp1:
0x4c: {  	[sflag:s19] =	ssyncset.done $0x0;
	(pc) =	sbr.rel @p1 .LBB2_4-.Ltmp1, $4  }
0x4d: {  	s23 =	sadd.s32 $0x2800, s24;
	[sflag:s19] =	ssyncadd.s32 $0xFFFFC000  }
0x4e: {  	[spmem:s3] =	stream.indirect.scatter.add.f32 [tilespmem:s15], [sflag:$0x2], $0x80, s23, s18, $0xb8;
	[tilespmem:$0x1CC00] =	vst v63  }
0x4f: {  	_ =	swait.ge [sflag:s16], $0x4000  }
0x50: {  	s23 =	smov.u32 s25;
	[sflag:s16] =	ssyncset.done $0x0  }
0x51: {  	s22 =	sshra.s32 s22, $0x2;
	[sflag:s16] =	ssyncadd.s32 $0xFFFFC000  }
0x52: {  	[tilespmem:s15], [sflag:$0x1] =	stream.indirect.gather [hbm4b:s1+s18], $0x80, s22, s18, $0xb8;
	[tilespmem:$0x1CC00] =	vst v63  }
0x53: {  	_ =	swait.ge [sflag:s19], $0x4000  }
0x54: {  	[sflag:s19] =	ssyncset.done $0x0  }
0x55: {  	s22 =	sadd.s32 $0x2800, s22;
	[sflag:s19] =	ssyncadd.s32 $0xFFFFC000  }
0x56: {  	[spmem:s3] =	stream.indirect.scatter.add.f32 [tilespmem:s15], [sflag:$0x2], $0x80, s22, s18, $0xb8;
	[tilespmem:$0x1CC00] =	vst v63  }
0x57: {  	_ =	swait.ge [sflag:s16], $0x4000  }
0x58: {  	[sflag:s16] =	ssyncset.done $0x0  }
0x59: {  	[sflag:s16] =	ssyncadd.s32 $0xFFFFC000  }
0x5a: {  	s22 =	simm.s32 @p0 $0x1FC2;
	[bflag:$0x0] =	sbarrier.arrive $0xFFFF  }
0x5b: {  	[hbm:s13], [sflag:s22] =	dma.local @p0 [spmem:s20], $0x2080  }
0x5c: {  	s22 =	simm.s32 @p0 $0x2  }
0x5d: {  	_ =	swait.ge @p0 [sflag:s22], $0x2080  }
0x5e: {  	s23 =	sshll.u32 @!p0 s0, $0x6;
	s4 =	sadd.s32 $0x1, s4;
	[sflag:s22] =	ssyncset.done @p0 $0x0  }
0x5f: {  	p1 =	sne.s32 s4, s14;
	[sflag:s22] =	ssyncadd.s32 @p0 $0xFFFFDF80;
	s22 =	sor.u32 @!p0 $0x1C02, s23  }
0x60: {  	[hbm:s12], [sflag:s22] =	dma.local @!p0 [spmem:s21], $0x2780  }
.Ltmp2:
0x61: {  	_ = 	snop;
	(pc) =	sbr.rel @p1 .LBB2_1-.Ltmp2, $4  }
0x62: {  	s22 =	simm.s32 @!p0 $0x2  }
0x63: {  	_ =	swait.ge @!p0 [sflag:s22], $0x2780  }
0x64: {  	[sflag:s22] =	ssyncset.done @!p0 $0x0  }
0x65: {  	[sflag:s22] =	ssyncadd.s32 @!p0 $0xFFFFD880  }
0x66: {  	_ =	sfence.sel $0x180000  }
0x67: {  	[bflag:$0x0] =	sbarrier.arrive $0xFFFF  }
0x68: {  	p0 =	sne.s32 s0, $0x0;
	_ =	strace $0x90000047  }
0x69: {  	s0 =	sadd.s32 @!p0 $0x100000, s2;
	[bflag:$0x2] =	sbarrier.arrive $0xFFFF  }
0x6a: {  	[sflag:s0] =	ssyncadd.tile.s32 @!p0 $0x1;
	_ =	shalt  }
.Lfunc_end2:
_tile_overlayer_lowered:
.L_overlay_start_2:
0x6b: {  	(tag) =	ssettag $0x2  }
0x6c: {  	s0 =	rddreg [dreg:$0x0];
	s2 =	stileid.u32  }
0x6d: {  	s1 =	rddreg [dreg:$0x1];
	p0 =	sne.s32 s2, $0x0  }
0x6e: {  	s3 =	rddreg [dreg:$0x2];
	[bflag:$0x3] =	sbarrier.arrive $0xFFFF;
	s2 =	simm.s32 @!p0 $0x1C02  }
0x6f: {  	[timem:s3], [sflag:s2] =	dma.local @!p0 [hbm:s0], s1  }
0x70: {  	s0 =	simm.s32 @!p0 $0x2  }
0x71: {  	_ =	swait.ge @!p0 [sflag:s0], s1  }
0x72: {  	s1 =	ssub.s32 @!p0 $0x0, s1;
	[sflag:s0] =	ssyncset.done @!p0 $0x0  }
0x73: {  	[sflag:s0] =	ssyncadd.s32 @!p0 s1  }
0x74: {  	[bflag:$0x3] =	sbarrier.arrive $0xFFFF  }
0x75: {  	_ =	shalt  }

// kernel: kernel.9.cloned.1.call-start
scs
__scs_entry_jumppad:
0x0: {  	(pc) =	sbr.rel $0x88, $3  }
0x1: {  	(tag) =	ssettag $0x0;
	lr =	simm.s32 $0x1  }
0x2: {  	[smem:$0x3F98] =	sst lr;
	_ =	strace $0xD0000000  }
0x3: {  	_ = 	snop  }
0x4: {  	_ = 	snop  }
0x5: {  	_ = 	snop  }
0x6: {  	_ = 	snop  }
0x7: {  	_ = 	snop  }
__scs_overlays_trampoline_lowered:
0x8: {  	[smem:$0x3FA7] =	sst s0  }
0x9: {  	[smem:$0x3FA8] =	sst s1  }
0xa: {  	[smem:$0x3FA9] =	sst s2  }
0xb: {  	[smem:$0x3FAA] =	sst s3  }
0xc: {  	[smem:$0x3FAB] =	sst s4  }
0xd: {  	[smem:$0x3FAC] =	sst s5  }
0xe: {  	[smem:$0x3FAD] =	sst s6  }
0xf: {  	[smem:$0x3FAE] =	sst s7  }
0x10: {  	[smem:$0x3FAF] =	sst s8  }
0x11: {  	[smem:$0x3FB0] =	sst s9;
	s0 =	simm.s32 @!p0 $0x0  }
0x12: {  	s1 =	sld [smem:$0x3F96];
	s0 =	simm.s32 @p0 $0x1  }
0x13: {  	[smem:$0x3FB1] =	sst s0;
	s0 =	simm.s32 @!p1 $0x0  }
0x14: {  	s2 =	sld [smem:$0x3F95];
	s0 =	simm.s32 @p1 $0x1  }
0x15: {  	[smem:$0x3FB2] =	sst s0;
	s0 =	simm.s32 @!p2 $0x0  }
0x16: {  	s3 =	sld [smem:$0x3FDB];
	s0 =	simm.s32 @p2 $0x1  }
0x17: {  	s4 =	simm.s32 $0x1BF5;
	[smem:$0x3FB4] =	sst s0  }
0x18: {  	s0 =	sld [smem:$0x3F97];
	_ =	swait.ge [sflag:s4], $0x0  }
0x19: {  	s7 =	sld [smem:$0x3F98]  }
0x1a: {  	s8 =	sadd.s32 $0xFFFFE003, lr  }
0x1b: {  	s9 =	sadd.s32 $0xFFFFFEF7, lr;
	s5 =	simm.s32 $0xFFFFFFFF;
	p2 =	slt.u32 s8, $0xFFFFF086  }
0x1c: {  	p1 =	slt.u32 s9, $0xF7A;
	s5 =	simm.s32 @!p2 $0x0  }
0x1d: {  	s5 =	simm.s32 @p1 $0x1;
	p0 =	seq.s32 s7, s2  }
0x1e: {  	s7 =	smul.u32 @!p0 $0xF7A, s2;
	p2 =	seq.s32 @!p0 s5, $0x0  }
0x1f: {  	s9 =	smul.u32 $0xF7A, s1;
	s8 =	simm.s32 @!p0 $0x1BF5;
	p2 =	por !p2, p0  }
0x20: {  	[sflag:s8] =	ssyncset.s32 @!p0 $0xFFFFF086;
	s6 =	sadd.s32 @!p0 s3, s7;
	s7 =	simm.s32 @!p0 $0x108  }
0x21: {  	s3 =	sadd.s32 s3, s9;
	s6 =	sadd.s32 @!p0 $0x88, s6;
	s7 =	simm.s32 @p2 $0x1082  }
0x22: {  	[simem:s7], [sflag:s8] =	dma.local @!p0 [hbm:s6], $0xF7A  }
0x23: {  	s9 =	sor.u32 $0xD0000000, s2;
	s6 =	simm.s32 $0x108;
	_ =	swait.ge @!p0 [sflag:s8], $0x0  }
0x24: {  	s3 =	sadd.s32 $0x88, s3;
	s6 =	simm.s32 @!p1 $0x1082;
	[sflag:s4] =	ssyncset.s32 $0xFFFFF086  }
0x25: {  	[simem:s6], [sflag:s4] =	dma.local [hbm:s3], $0xF7A  }
0x26: {  	[smem:$0x3F98] =	sst s1;
	(tag) =	ssettag s2;
	_ =	strace s9  }
0x27: {  	s1 =	sld [smem:$0x3FA8]  }
0x28: {  	s2 =	sld [smem:$0x3FA9]  }
0x29: {  	s4 =	sld [smem:$0x3FAB]  }
0x2a: {  	p0 =	seq.s32 s5, $0x0;
	s5 =	sld [smem:$0x3FAC]  }
0x2b: {  	s6 =	sld [smem:$0x3FAD]  }
0x2c: {  	s7 =	sld [smem:$0x3FAE]  }
0x2d: {  	s3 =	simm.s32 $0x108;
	s8 =	sld [smem:$0x3FAF]  }
0x2e: {  	s3 =	simm.s32 @!p0 $0x1082;
	s9 =	sld [smem:$0x3FB0]  }
0x2f: {  	lr =	sadd.s32 s0, s3;
	s0 =	sld [smem:$0x3FA7]  }
0x30: {  	s3 =	sld [smem:$0x3FAA]  }
0x31: {  	[smem:$0x3FB3] =	sst s10  }
0x32: {  	s10 =	sld [smem:$0x3FB1];
	_ =	sdelay $0x3  }
0x33: {  	p0 =	seq.s32 s10, $0x1;
	s10 =	sld [smem:$0x3FB3];
	_ =	sdelay $0x3  }
0x34: {  	[smem:$0x3FB3] =	sst s10  }
0x35: {  	s10 =	sld [smem:$0x3FB2];
	_ =	sdelay $0x3  }
0x36: {  	p1 =	seq.s32 s10, $0x1;
	s10 =	sld [smem:$0x3FB3];
	_ =	sdelay $0x3  }
0x37: {  	[smem:$0x3FB3] =	sst s10  }
0x38: {  	s10 =	sld [smem:$0x3FB4]  }
0x39: {  	_ = 	snop;
	(pc) =	sbr.ind lr, $3  }
0x3a: {  	_ = 	snop  }
0x3b: {  	_ = 	snop  }
0x3c: {  	p2 =	seq.s32 s10, $0x1;
	s10 =	sld [smem:$0x3FB3]  }
0x3d: {  	_ =	shalt  }
0x3e: {  	_ =	shalt  }
0x3f: {  	_ =	shalt  }
0x40: {  	_ =	shalt  }
0x41: {  	_ =	shalt  }
0x42: {  	_ =	shalt  }
0x43: {  	_ =	shalt  }
0x44: {  	_ =	shalt  }
0x45: {  	_ =	shalt  }
0x46: {  	_ =	shalt  }
0x47: {  	_ =	shalt  }
0x48: {  	_ =	shalt  }
0x49: {  	_ =	shalt  }
0x4a: {  	_ =	shalt  }
0x4b: {  	_ =	shalt  }
0x4c: {  	_ =	shalt  }
0x4d: {  	_ =	shalt  }
0x4e: {  	_ =	shalt  }
0x4f: {  	_ =	shalt  }
0x50: {  	_ =	shalt  }
0x51: {  	_ =	shalt  }
0x52: {  	_ =	shalt  }
0x53: {  	_ =	shalt  }
0x54: {  	_ =	shalt  }
0x55: {  	_ =	shalt  }
0x56: {  	_ =	shalt  }
0x57: {  	_ =	shalt  }
0x58: {  	_ =	shalt  }
0x59: {  	_ =	shalt  }
0x5a: {  	_ =	shalt  }
0x5b: {  	_ =	shalt  }
0x5c: {  	_ =	shalt  }
0x5d: {  	_ =	shalt  }
0x5e: {  	_ =	shalt  }
0x5f: {  	_ =	shalt  }
0x60: {  	_ =	shalt  }
0x61: {  	_ =	shalt  }
0x62: {  	_ =	shalt  }
0x63: {  	_ =	shalt  }
0x64: {  	_ =	shalt  }
0x65: {  	_ =	shalt  }
0x66: {  	_ =	shalt  }
0x67: {  	_ =	shalt  }
0x68: {  	_ =	shalt  }
0x69: {  	_ =	shalt  }
0x6a: {  	_ =	shalt  }
0x6b: {  	_ =	shalt  }
0x6c: {  	_ =	shalt  }
0x6d: {  	_ =	shalt  }
0x6e: {  	_ =	shalt  }
0x6f: {  	_ =	shalt  }
0x70: {  	_ =	shalt  }
0x71: {  	_ =	shalt  }
0x72: {  	_ =	shalt  }
0x73: {  	_ =	shalt  }
0x74: {  	_ =	shalt  }
0x75: {  	_ =	shalt  }
0x76: {  	_ =	shalt  }
0x77: {  	_ =	shalt  }
0x78: {  	_ =	shalt  }
0x79: {  	_ =	shalt  }
0x7a: {  	_ =	shalt  }
0x7b: {  	_ =	shalt  }
0x7c: {  	_ =	shalt  }
0x7d: {  	_ =	shalt  }
0x7e: {  	_ =	shalt  }
0x7f: {  	_ =	shalt  }
0x80: {  	_ =	shalt  }
0x81: {  	_ =	shalt  }
0x82: {  	_ =	shalt  }
0x83: {  	_ =	shalt  }
0x84: {  	_ =	shalt  }
0x85: {  	_ =	shalt  }
0x86: {  	_ =	shalt  }
0x87: {  	_ =	shalt  }
.Lfunc_end0:
.L_simem_size_0:
called_computation.1_lowered:
.L_overlay_start_0:
0x88: {  	s2 =	sld [smem:$0x3FD9]  }
0x89: {  	s3 =	sld [smem:$0x3FFE];
	_ =	sdelay $0x1  }
0x8a: {  	s1 =	srdreg.scid  }
0x8b: {  	s0 =	sand.u32 $0x1, s1  }
0x8c: {  	s16 =	sshll.u32 s0, $0xA;
	s2 =	sadd.s32 s3, s2  }
0x8d: {  	s2 =	sadd.s32 s2, s16  }
0x8e: {  	[smem:$0x3FBF] =	sst s2  }
0x8f: {  	_ = 	snop  }
0x90: {  	(tm) =	ssettm $0x1  }
0x91: {  	s17 =	sld [smem:$0x3FFB];
	_ =	sdelay $0x3  }
0x92: {  	_ =	strace s17  }
0x93: {  	s2 =	sld [smem:$0x3FFC];
	_ =	sdelay $0x3  }
0x94: {  	_ =	strace s2  }
0x95: {  	s2 =	sld [smem:$0x3FFD];
	_ =	sdelay $0x3  }
0x96: {  	_ =	strace s2  }
0x97: {  	_ =	strace $0x8FFFFFFF  }
0x98: {  	s18 =	sld [smem:$0x3FDB];
	_ =	sdelay $0x1  }
0x99: {  	s19 =	simm.s32 $_scs_section_size  }
0x9a: {  	s4 =	simm.s32 $_size__tile_overlayer_lowered;
	s5 =	simm.s32 $_tile_overlayer_lowered  }
0x9b: {  	s22 =	simm.s32 $0x1BFF;
	s21 =	sshll.u32 s5, $0x1;
	s2 =	sadd.s32 s19, s18  }
0x9c: {  	s6 =	simm.s32 $0x0;
	s20 =	sshll.u32 s4, $0x1;
	s4 =	sadd.s32 s21, s2  }
0x9d: {  	[timem:s6], [sflag:s22] =	dma.local [hbm:s4], s20  }
0x9e: {  	_ =	swait.ge [sflag:s22], s20  }
0x9f: {  	s3 =	ssub.s32 $0x0, s20;
	[sflag:s22] =	ssyncset.done $0x0  }
0xa0: {  	[sflag:s22] =	ssyncadd.s32 s3;
	_ =	sdelay $0x1  }
0xa1: {  	s23 =	simm.s32 $0x1B8B  }
0xa2: {  	_ =	swait.ge [sflag:s23], $0x1  }
0xa3: {  	[sflag:s23] =	ssyncset.done $0x0  }
0xa4: {  	s25 =	simm.s32 $0x1B8E;
	s24 =	sld [smem:$0x3FFE];
	[sflag:s23] =	ssyncadd.s32 $0xFFFFFFFF  }
0xa5: {  	s26 =	simm.s32 $execute0_lowered;
	[smem:$0x3FD2] =	sst s25  }
0xa6: {  	s4 =	sshll.u32 s26, $0x1;
	_ =	strace $0x80000049;
	[dreg:$0x1] =	wrdreg $0xFFFFFFFF  }
0xa7: {  	s28 =	simm.s32 $_size_execute0_lowered;
	s2 =	sadd.s32 s2, s4;
	[dreg:$0x0] =	wrdreg $0x0  }
0xa8: {  	s4 =	sshll.u32 s28, $0x1;
	[dreg:$0x2] =	wrdreg s2  }
0xa9: {  	[dreg:$0x3] =	wrdreg s4  }
0xaa: {  	[dreg:$0x4] =	wrdreg $0xC0  }
0xab: {  	_ =	task [dreg:s6], $0x5FFFF  }
0xac: {  	[dreg:$0x1] =	wrdreg $0xFFFFFFFF  }
0xad: {  	[dreg:$0x0] =	wrdreg $0x60  }
0xae: {  	[dreg:$0x2] =	wrdreg s24  }
0xaf: {  	[dreg:$0x3] =	wrdreg $0x90000  }
0xb0: {  	[dreg:$0x4] =	wrdreg $0x9  }
0xb1: {  	_ =	task.clear_ibuf [dreg:s6], $0x5FFFF;
	_ =	strace $0x90000049  }
0xb2: {  	s29 =	simm.s32 $0x9;
	_ =	strace $0x8000004B  }
0xb3: {  	_ =	swait.ge [sflag:s29], $0x1  }
0xb4: {  	[sflag:s29] =	ssyncadd.s32 $0xFFFFFFFF  }
0xb5: {  	_ =	strace $0x9000004B  }
0xb6: {  	_ =	sfence  }
0xb7: {  	s30 =	sld [smem:$0x0];
	_ =	sdelay $0x2  }
0xb8: {  	s31 =	sshll.u32 s1, $0xD;
	s1 =	sshrl.u32 s1, $0x2  }
0xb9: {  	s3 =	sand.u32 $0x4000, s31;
	s1 =	sadd.s32 s1, s30  }
0xba: {  	s0 =	sor.u32 s3, s0;
	s1 =	sshll.u32 s1, $0x11  }
0xbb: {  	s0 =	sor.u32 s1, s0  }
0xbc: {  	s0 =	sadd.s32 $0x8F2B, s0  }
0xbd: {  	[sflag:s0] =	ssyncadd.remote.s32 $0x1  }
0xbe: {  	_ =	sfence.sel $0xFFFF  }
0xbf: {  	[dreg:$0x0] =	wrdreg $0xFFFFFFFF;
	(pc) =	sbr.abs _section_cstart, $3  }
0xc0: {  	[dreg:$0x1] =	wrdreg $0xFFFFFFFF  }
0xc1: {  	_ =	task.clear_ibuf [dreg:s6], $0x2FFFF;
	_ =	strace $0x9FFFFFFF  }
0xc2: {  	(tm) =	ssettm $0x7FFFFFFF  }
0xc3: {  	_ =	shalt  }
tec
execute0_lowered:
.L_overlay_start_1:
0x0: {  	(tag) =	ssettag $0x1  }
0x1: {  	s1 =	srdreg.scid;
	s5 =	rddreg [dreg:$0x0]  }
0x2: {  	s0 =	stileid.u32;
	s2 =	rddreg [dreg:$0x1];
	s3 =	simm.s32 $0x0  }
0x3: {  	s18 =	simm.s32 $0x80;
	s6 =	sand.u32 $0x1, s1;
	s1 =	rddreg [dreg:$0x2]  }
0x4: {  	s19 =	simm.s32 $0x1;
	s28 =	sshll.u32 s0, $0x1;
	[smem:$0x7FF] =	sst s3  }
0x5: {  	s13 =	sadd.s32 $0x3D600, s5;
	s30 =	sshll.u32 s0, $0xE;
	s15 =	smul.u32 $0x13C00, s0  }
0x6: {  	s16 =	smul.u32 $0x4F000, s0;
	s20 =	sadd.s32 $0x128400, s2;
	p0 =	seq.s32 s0, $0xF  }
0x7: {  	s4 =	sor.u32 s6, s28;
	_ =	strace $0x8000004A;
	s12 =	smul.u32 $0x138800, s6  }
0x8: {  	s29 =	ssub.s32 $0x2, s6;
	s20 =	sshrl.u32 @p0 s20, $0x3;
	s7 =	smul.u32 $0x500, s4  }
0x9: {  	s4 =	sadd.s32 $0x16400, s5;
	s8 =	sshrl.u32 s29, $0x1;
	s31 =	sshrl.u32 s16, $0x2  }
0xa: {  	s16 =	simm.s32 $0x2;
	s14 =	ssub.s32 s29, s8;
	s15 =	sadd.s32 s15, s12  }
0xb: {  	s17 =	sshrl.u32 s12, $0x3;
	s21 =	sadd.s32 s31, s2;
	s11 =	sadd.s32 s7, s5  }
0xc: {  	s5 =	sadd.s32 s30, s2;
	s15 =	sshrl.u32 s15, $0x3;
	s14 =	smax.u32 s14, $0x1  }
0xd: {  	s21 =	sshrl.u32 @!p0 s21, $0x3;
	s6 =	sadd.s32 $0x40000, s5;
	s7 =	sadd.s32 $0x80000, s5  }
0xe: {  	s8 =	sadd.s32 $0xC0000, s5;
	s9 =	sadd.s32 $0x100000, s5;
	s10 =	sadd.s32 $0x2400, s11  }
0xf: {  	s11 =	sadd.s32 $0xC400, s11;
	s12 =	sadd.s32 s13, s15;
	s13 =	sadd.s32 s13, s17  }
0x10: {  	v0 =	vimm.f32 $0.0e+00;
	s15 =	simm.s32 $0x5000;
	s17 =	simm.s32 $0x2800;
	s13 =	sadd.s32 $0x25080, s13  }
.LBB2_1:
0x11: {  	s22 =	simm.s32 $0x0;
	s23 =	simm.s32 $0x200  }
.LBB2_2:
0x12: {  	p1 =	sne.s32 s23, $0xFE00;
	[tilespmem:s22+$0x5070] =	vst v0  }
0x13: {  	[tilespmem:s22+$0x5000] =	vst v0  }
0x14: {  	[tilespmem:s22+$0x5010] =	vst v0  }
.Ltmp0:
0x15: {  	[tilespmem:s22+$0x5020] =	vst v0;
	(pc) =	sbr.rel @p1 .LBB2_2-.Ltmp0, $4  }
0x16: {  	[tilespmem:s22+$0x5030] =	vst v0  }
0x17: {  	[tilespmem:s22+$0x5040] =	vst v0  }
0x18: {  	[tilespmem:s22+$0x5050] =	vst v0  }
0x19: {  	[tilespmem:s22+$0x5060] =	vst v0;
	s22 =	sshra.s32 s23, $0x2;
	s23 =	sadd.s32 $0x200, s23  }
0x1a: {  	[tilespmem:s22+$0x5070] =	vst v0  }
0x1b: {  	[tilespmem:s22+$0x5000] =	vst v0  }
0x1c: {  	[tilespmem:s22+$0x5010] =	vst v0  }
0x1d: {  	[tilespmem:s22+$0x5020] =	vst v0  }
0x1e: {  	[tilespmem:s22+$0x5030] =	vst v0  }
0x1f: {  	[tilespmem:s22+$0x5040] =	vst v0  }
0x20: {  	[tilespmem:s22+$0x5050] =	vst v0  }
0x21: {  	[tilespmem:s22+$0x5060] =	vst v0  }
0x22: {  	[spmem:s5] =	stream.linear.scatter [tilespmem:s15], [sflag:$0x2], $0x4000, $0x38;
	[tilespmem:$0x1CC00] =	vst v63  }
0x23: {  	_ =	swait.ge [sflag:s16], $0x4000  }
0x24: {  	[sflag:s16] =	ssyncset.done $0x0  }
0x25: {  	[sflag:s16] =	ssyncadd.s32 $0xFFFFC000  }
0x26: {  	[spmem:s6] =	stream.linear.scatter [tilespmem:s15], [sflag:$0x2], $0x4000, $0x38;
	[tilespmem:$0x1CC00] =	vst v63  }
0x27: {  	_ =	swait.ge [sflag:s16], $0x4000  }
0x28: {  	[sflag:s16] =	ssyncset.done $0x0  }
0x29: {  	[sflag:s16] =	ssyncadd.s32 $0xFFFFC000  }
0x2a: {  	[spmem:s7] =	stream.linear.scatter [tilespmem:s15], [sflag:$0x2], $0x4000, $0x38;
	[tilespmem:$0x1CC00] =	vst v63  }
0x2b: {  	_ =	swait.ge [sflag:s16], $0x4000  }
0x2c: {  	[sflag:s16] =	ssyncset.done $0x0  }
0x2d: {  	[sflag:s16] =	ssyncadd.s32 $0xFFFFC000  }
0x2e: {  	[spmem:s8] =	stream.linear.scatter [tilespmem:s15], [sflag:$0x2], $0x4000, $0x38;
	[tilespmem:$0x1CC00] =	vst v63  }
0x2f: {  	_ =	swait.ge [sflag:s16], $0x4000  }
0x30: {  	[sflag:s16] =	ssyncset.done $0x0  }
0x31: {  	s22 =	simm.s32 @!p0 $0x5000;
	[sflag:s16] =	ssyncadd.s32 $0xFFFFC000  }
0x32: {  	[spmem:s9] =	stream.linear.scatter @!p0 [tilespmem:s22], [sflag:$0x2], $0x4000, $0x38;
	[tilespmem:$0x1CC00] =	vst v63  }
0x33: {  	s22 =	simm.s32 @!p0 $0x2  }
0x34: {  	_ =	swait.ge @!p0 [sflag:s22], $0x4000  }
0x35: {  	[sflag:s22] =	ssyncset.done @!p0 $0x0  }
0x36: {  	[sflag:s22] =	ssyncadd.s32 @!p0 $0xFFFFC000  }
0x37: {  	s29 =	simm.s32 $0x0;
	[bflag:$0x0] =	sbarrier.arrive $0xFFFF  }
0x38: {  	[tilespmem:s29], [sflag:$0x2] =	stream.linear.gather [hbm4b:s10+s29], $0x2780, $0x38;
	[tilespmem:$0x1CC00] =	vst v63  }
0x39: {  	_ =	swait.ge [sflag:s16], $0x2780  }
0x3a: {  	[sflag:s16] =	ssyncset.done $0x0  }
0x3b: {  	[sflag:s16] =	ssyncadd.s32 $0xFFFFD880  }
0x3c: {  	[tilespmem:s17], [sflag:$0x2] =	stream.linear.gather [hbm4b:s11+s29], $0x2780, $0x38;
	[tilespmem:$0x1CC00] =	vst v63  }
0x3d: {  	_ =	swait.ge [sflag:s16], $0x2780  }
0x3e: {  	[sflag:s16] =	ssyncset.done $0x0  }
0x3f: {  	s30 =	simm.s32 $0x0;
	[sflag:s16] =	ssyncadd.s32 $0xFFFFD880  }
0x40: {  	[tilespmem:s15], [sflag:$0x1] =	stream.indirect.gather [hbm4b:s4+s18], $0x80, s30, s18, $0xb8;
	[tilespmem:$0x1CC00] =	vst v63  }
0x41: {  	_ =	swait.ge [sflag:s19], $0x4000  }
0x42: {  	[sflag:s19] =	ssyncset.done $0x0  }
0x43: {  	s31 =	simm.s32 $0x2800;
	[sflag:s19] =	ssyncadd.s32 $0xFFFFC000  }
0x44: {  	[spmem:s2] =	stream.indirect.scatter.add.f32 [tilespmem:s15], [sflag:$0x2], $0x80, s31, s18, $0xb8;
	[tilespmem:$0x1CC00] =	vst v63  }
0x45: {  	_ =	swait.ge [sflag:s16], $0x4000  }
0x46: {  	s23 =	simm.s32 $0x400;
	s22 =	simm.s32 $0x200;
	[sflag:s16] =	ssyncset.done $0x0  }
.LBB2_4:
0x47: {  	s24 =	sshra.s32 s22, $0x2  }
0x48: {  	[sflag:s16] =	ssyncadd.s32 $0xFFFFC000;
	s22 =	smov.u32 s23;
	s25 =	sadd.s32 $0x200, s23  }
0x49: {  	[tilespmem:s15], [sflag:$0x1] =	stream.indirect.gather [hbm4b:s4+s18], $0x80, s24, s18, $0xb8;
	[tilespmem:$0x1CC00] =	vst v63  }
0x4a: {  	p1 =	sne.s32 s23, $0x9C00;
	_ =	swait.ge [sflag:s19], $0x4000  }
.Ltmp1:
0x4b: {  	[sflag:s19] =	ssyncset.done $0x0;
	(pc) =	sbr.rel @p1 .LBB2_4-.Ltmp1, $4  }
0x4c: {  	s23 =	sadd.s32 $0x2800, s24;
	[sflag:s19] =	ssyncadd.s32 $0xFFFFC000  }
0x4d: {  	[spmem:s2] =	stream.indirect.scatter.add.f32 [tilespmem:s15], [sflag:$0x2], $0x80, s23, s18, $0xb8;
	[tilespmem:$0x1CC00] =	vst v63  }
0x4e: {  	_ =	swait.ge [sflag:s16], $0x4000  }
0x4f: {  	s23 =	smov.u32 s25;
	[sflag:s16] =	ssyncset.done $0x0  }
0x50: {  	s22 =	sshra.s32 s22, $0x2;
	[sflag:s16] =	ssyncadd.s32 $0xFFFFC000  }
0x51: {  	[tilespmem:s15], [sflag:$0x1] =	stream.indirect.gather [hbm4b:s4+s18], $0x80, s22, s18, $0xb8;
	[tilespmem:$0x1CC00] =	vst v63  }
0x52: {  	_ =	swait.ge [sflag:s19], $0x4000  }
0x53: {  	[sflag:s19] =	ssyncset.done $0x0  }
0x54: {  	s22 =	sadd.s32 $0x2800, s22;
	[sflag:s19] =	ssyncadd.s32 $0xFFFFC000  }
0x55: {  	[spmem:s2] =	stream.indirect.scatter.add.f32 [tilespmem:s15], [sflag:$0x2], $0x80, s22, s18, $0xb8;
	[tilespmem:$0x1CC00] =	vst v63  }
0x56: {  	_ =	swait.ge [sflag:s16], $0x4000  }
0x57: {  	[sflag:s16] =	ssyncset.done $0x0  }
0x58: {  	[sflag:s16] =	ssyncadd.s32 $0xFFFFC000  }
0x59: {  	s22 =	simm.s32 @p0 $0x1FC2;
	[bflag:$0x0] =	sbarrier.arrive $0xFFFF  }
0x5a: {  	[hbm:s13], [sflag:s22] =	dma.local @p0 [spmem:s20], $0x2080  }
0x5b: {  	s22 =	simm.s32 @p0 $0x2  }
0x5c: {  	_ =	swait.ge @p0 [sflag:s22], $0x2080  }
0x5d: {  	s23 =	sshll.u32 @!p0 s0, $0x6;
	s3 =	sadd.s32 $0x1, s3;
	[sflag:s22] =	ssyncset.done @p0 $0x0  }
0x5e: {  	p1 =	sne.s32 s3, s14;
	[sflag:s22] =	ssyncadd.s32 @p0 $0xFFFFDF80;
	s22 =	sor.u32 @!p0 $0x1C02, s23  }
0x5f: {  	[hbm:s12], [sflag:s22] =	dma.local @!p0 [spmem:s21], $0x2780  }
.Ltmp2:
0x60: {  	_ = 	snop;
	(pc) =	sbr.rel @p1 .LBB2_1-.Ltmp2, $4  }
0x61: {  	s22 =	simm.s32 @!p0 $0x2  }
0x62: {  	_ =	swait.ge @!p0 [sflag:s22], $0x2780  }
0x63: {  	[sflag:s22] =	ssyncset.done @!p0 $0x0  }
0x64: {  	[sflag:s22] =	ssyncadd.s32 @!p0 $0xFFFFD880  }
0x65: {  	_ =	sfence.sel $0x180000  }
0x66: {  	[bflag:$0x0] =	sbarrier.arrive $0xFFFF  }
0x67: {  	p0 =	sne.s32 s0, $0x0;
	_ =	strace $0x9000004A  }
0x68: {  	s0 =	sadd.s32 @!p0 $0x100000, s1;
	[bflag:$0x2] =	sbarrier.arrive $0xFFFF  }
0x69: {  	[sflag:s0] =	ssyncadd.tile.s32 @!p0 $0x1;
	_ =	shalt  }
.Lfunc_end2:
_tile_overlayer_lowered:
.L_overlay_start_2:
0x6a: {  	(tag) =	ssettag $0x2  }
0x6b: {  	s0 =	rddreg [dreg:$0x0];
	s2 =	stileid.u32  }
0x6c: {  	s1 =	rddreg [dreg:$0x1];
	p0 =	sne.s32 s2, $0x0  }
0x6d: {  	s3 =	rddreg [dreg:$0x2];
	[bflag:$0x3] =	sbarrier.arrive $0xFFFF;
	s2 =	simm.s32 @!p0 $0x1C02  }
0x6e: {  	[timem:s3], [sflag:s2] =	dma.local @!p0 [hbm:s0], s1  }
0x6f: {  	s0 =	simm.s32 @!p0 $0x2  }
0x70: {  	_ =	swait.ge @!p0 [sflag:s0], s1  }
0x71: {  	s1 =	ssub.s32 @!p0 $0x0, s1;
	[sflag:s0] =	ssyncset.done @!p0 $0x0  }
0x72: {  	[sflag:s0] =	ssyncadd.s32 @!p0 s1  }
0x73: {  	[bflag:$0x3] =	sbarrier.arrive $0xFFFF  }
0x74: {  	_ =	shalt  }

</sc_bundles>
